<compile_context>
chip_gen: v7x
topology: tpu7x:2x2x1
jax: 0.10.2.dev20260603
libtpu: 0.0.44.dev20260713+nightly
codegen_flags: <defaults>
</compile_context>

<pallas_src>
import functools

import jax
import jax.numpy as jnp
from jax import lax
from jax.experimental import pallas as pl
from jax.experimental.pallas import tpu as pltpu
from jax.experimental.pallas import tpu_sc as plsc

NUM_EMB = 1000000
DIM = 64
BATCH = 16384
HIST = 50
N = BATCH * HIST
G = 128
NROWS = N // G

_info = plsc.get_sparse_core_info()
NC, NS = _info.num_cores, _info.num_subcores
NW = NC * NS
ROWS_PER_W = NROWS // NW
K = 4
CH = K * G
NCHUNK = ROWS_PER_W // K
NB = 2
S = NCHUNK // NB


def _gather_body(table_hbm, xf_hbm, out_hbm,
                 idx0, idx1, rows0, rows1, g0, g1, o0, o1):
    wid = lax.axis_index("s") * NC + lax.axis_index("c")
    base_row = wid * ROWS_PER_W
    idx = (idx0, idx1)
    rows = (rows0, rows1)
    gsem = (g0, g1)
    osem = (o0, o1)

    def load_and_fire(b, row0):
        pltpu.sync_copy(xf_hbm.at[pl.ds(row0, K)], idx[b])
        for j in range(K):
            pltpu.async_copy(
                table_hbm.at[idx[b].at[j]],
                rows[b].at[pl.ds(j * G, G)],
                gsem[b],
            )

    def wait_gathers(b):
        for j in range(K):
            pltpu.make_async_copy(
                table_hbm.at[idx[b].at[j]],
                rows[b].at[pl.ds(j * G, G)],
                gsem[b],
            ).wait()

    def issue_out(b, row0):
        pltpu.async_copy(rows[b], out_hbm.at[pl.ds(row0 * G, CH)], osem[b])

    def wait_out(b):
        pltpu.make_async_copy(
            rows[b], out_hbm.at[pl.ds(0, CH)], osem[b]
        ).wait()

    for b in range(NB):
        load_and_fire(b, base_row + b * K)

    def superstep(t, carry):
        for b in range(NB):
            c = t * NB + b
            row0 = base_row + c * K
            wait_gathers(b)
            issue_out(b, row0)
            pltpu.sync_copy(xf_hbm.at[pl.ds(row0 + NB * K, K)], idx[b])
            wait_out(b)
            for j in range(K):
                pltpu.async_copy(
                    table_hbm.at[idx[b].at[j]],
                    rows[b].at[pl.ds(j * G, G)],
                    gsem[b],
                )
        return carry

    lax.fori_loop(0, S - 1, superstep, 0)

    for b in range(NB):
        c = (S - 1) * NB + b
        row0 = base_row + c * K
        wait_gathers(b)
        pltpu.sync_copy(rows[b], out_hbm.at[pl.ds(row0 * G, CH)])


@functools.partial(jax.jit, static_argnames=())
def kernel(x, table):
    xf = x.reshape(NROWS, G).astype(jnp.int32)
    mesh = plsc.VectorSubcoreMesh(core_axis_name="c", subcore_axis_name="s")
    out = pl.kernel(
        _gather_body,
        mesh=mesh,
        compiler_params=pltpu.CompilerParams(use_tc_tiling_on_sc=False),
        out_type=jax.ShapeDtypeStruct((N, DIM), jnp.float32),
        scratch_types=[
            pltpu.VMEM((K, G), jnp.int32),
            pltpu.VMEM((K, G), jnp.int32),
            pltpu.VMEM((CH, DIM), jnp.float32),
            pltpu.VMEM((CH, DIM), jnp.float32),
            pltpu.SemaphoreType.DMA,
            pltpu.SemaphoreType.DMA,
            pltpu.SemaphoreType.DMA,
            pltpu.SemaphoreType.DMA,
        ],
    )(table, xf)
    return out.reshape(BATCH, HIST, DIM)

# --- scband reference (transcript-rebuilt; emitter-appended) ---
"""Pipeline reference for scband-partial-grad-embedding-1889785610379 (READ-ONLY COPY).

The authoritative reference and input builder live on the scoring server;
editing this copy changes nothing except your own understanding.
"""

import jax, jax.numpy as jnp
import numpy as np

NUM_EMBEDDINGS = 1000000
EMBEDDING_DIM = 64
CUTOFF = 500000
BATCH = 16384
HIST = 50

def setup_inputs(seed: int = 0) -> dict:
    key = jax.random.key(seed)
    k1, k2 = jax.random.split(key)
    x = jax.random.randint(k1, (BATCH, HIST), 0, NUM_EMBEDDINGS, dtype=jnp.int64) if jax.config.jax_enable_x64 else jax.random.randint(k1, (BATCH, HIST), 0, NUM_EMBEDDINGS, dtype=jnp.int32)
    table = jax.random.normal(k2, (NUM_EMBEDDINGS, EMBEDDING_DIM), dtype=jnp.float32) * 0.02
    return {"x": x, "table": table}

def reference(x, table):
    # PartialGradEmbedding.forward
    w = (x > CUTOFF).astype(jnp.float32)  # [B, L]
    w = w[..., None]                       # [B, L, 1]
    emb = jnp.take(table, x, axis=0)       # [B, L, D] embedding lookup (gather)
    h = w * emb + (1.0 - w) * jax.lax.stop_gradient(emb)
    return h

if __name__ == "__main__":
    import jax
    _d = setup_inputs()
    print(jax.jit(kernel)(*tuple(_d.values())))

</pallas_src>

<mosaic_0001>
#map = affine_map<(d0, d1) -> (0, 0)>
module attributes {stable_mosaic.version = 14 : i64} {
  func.func @_gather_body(%arg0: i32, %arg1: i32, %arg2: memref<1000000x64xf32, #tpu.memory_space<hbm>>, %arg3: memref<6400x128xi32, #tpu.memory_space<hbm>>, %arg4: memref<819200x64xf32, #tpu.memory_space<hbm>>, %arg5: memref<4x128xi32, #tpu.memory_space<vmem>>, %arg6: memref<4x128xi32, #tpu.memory_space<vmem>>, %arg7: memref<512x64xf32, #tpu.memory_space<vmem>>, %arg8: memref<512x64xf32, #tpu.memory_space<vmem>>, %arg9: memref<!tpu.dma_semaphore, #tpu.memory_space<semaphore_mem>>, %arg10: memref<!tpu.dma_semaphore, #tpu.memory_space<semaphore_mem>>, %arg11: memref<!tpu.dma_semaphore, #tpu.memory_space<semaphore_mem>>, %arg12: memref<!tpu.dma_semaphore, #tpu.memory_space<semaphore_mem>>) attributes {dimension_semantics = [#tpu.dimension_semantics<core_parallel>, #tpu.dimension_semantics<subcore_parallel>], iteration_bounds = array<i64: 2, 16>, scalar_prefetch = 0 : i64, scratch_operands = 8 : i64, tpu.core_type = #tpu.core_type<sc_vector_subcore>, window_params = [{transform_indices = #map}, {transform_indices = #map}, {transform_indices = #map}]} {
    %mul3A = arith.constant 2 : i32
    %mul3A_0 = arith.muli %arg1, %mul3A : i32
    %add3A = arith.addi %mul3A_0, %arg0 : i32
    %mul3A_1 = arith.constant 200 : i32
    %mul3A_2 = arith.muli %add3A, %mul3A_1 : i32
    %add3A_3 = arith.constant 0 : i32
    %add3A_4 = arith.addi %mul3A_2, %add3A_3 : i32
    "tpu.region"() ({
      %run_scoped3A = tpu.sem_alloc : memref<!tpu.dma_semaphore, #tpu.memory_space<semaphore_mem>>
      %dma_start3A_178 = arith.constant 0 : i32
      %dma_start3A_179 = tpu.memref_slice %arg3[%add3A_4, %dma_start3A_178] : memref<6400x128xi32, #tpu.memory_space<hbm>> -> memref<4x128xi32, #tpu.memory_space<hbm>>
      %dma_start3A_180 = arith.constant 0 : i32
      %dma_start3A_181 = tpu.memref_slice %arg3[%add3A_4, %dma_start3A_180] : memref<6400x128xi32, #tpu.memory_space<hbm>> -> memref<4x128xi32, #tpu.memory_space<hbm>>
      tpu.enqueue_dma source(%dma_start3A_181 : memref<4x128xi32, #tpu.memory_space<hbm>>) target(%arg5 : memref<4x128xi32, #tpu.memory_space<vmem>>) target_semaphore(%run_scoped3A : memref<!tpu.dma_semaphore, #tpu.memory_space<semaphore_mem>>)
      %dma_wait3A_182 = arith.constant 0 : i32
      %dma_wait3A_183 = tpu.memref_slice %arg3[%add3A_4, %dma_wait3A_182] : memref<6400x128xi32, #tpu.memory_space<hbm>> -> memref<4x128xi32, #tpu.memory_space<hbm>>
      %dma_wait3A_184 = arith.constant 0 : i32
      %dma_wait3A_185 = tpu.memref_slice %arg3[%add3A_4, %dma_wait3A_184] : memref<6400x128xi32, #tpu.memory_space<hbm>> -> memref<4x128xi32, #tpu.memory_space<hbm>>
      tpu.wait_dma2 semaphore(%run_scoped3A : memref<!tpu.dma_semaphore, #tpu.memory_space<semaphore_mem>>) src(%dma_wait3A_185 : memref<4x128xi32, #tpu.memory_space<hbm>>) dst(%arg5 : memref<4x128xi32, #tpu.memory_space<vmem>>)
      tpu.yield
    }) : () -> ()
    %dma_start3A = arith.constant 0 : i32
    %dma_start3A_5 = arith.constant 0 : i32
    %dma_start3A_6 = arith.constant 0 : i32
    %dma_start3A_7 = tpu.memref_slice %arg7[%dma_start3A_5, %dma_start3A_6] : memref<512x64xf32, #tpu.memory_space<vmem>> -> memref<128x64xf32, #tpu.memory_space<vmem>>
    %dma_start3A_8 = arith.constant 0 : i32
    %dma_start3A_9 = tpu.memref_slice %arg5[%dma_start3A, %dma_start3A_8] : memref<4x128xi32, #tpu.memory_space<vmem>> -> memref<1x128xi32, #tpu.memory_space<vmem>>
    %dma_start3A_10 = tpu.memref_squeeze %dma_start3A_9 : memref<1x128xi32, #tpu.memory_space<vmem>> -> memref<128xi32, #tpu.memory_space<vmem>>
    %dma_start3A_11 = arith.constant 0 : i32
    %dma_start3A_12 = arith.constant 0 : i32
    %dma_start3A_13 = tpu.memref_slice %arg2[%dma_start3A_11, %dma_start3A_12] : memref<1000000x64xf32, #tpu.memory_space<hbm>> -> memref<1000000x64xf32, #tpu.memory_space<hbm>>
    tpu.enqueue_indirect_dma source(%dma_start3A_13 : memref<1000000x64xf32, #tpu.memory_space<hbm>>) target(%dma_start3A_7 : memref<128x64xf32, #tpu.memory_space<vmem>>) offsets(%dma_start3A_10 : memref<128xi32, #tpu.memory_space<vmem>>) semaphore(%arg9 : memref<!tpu.dma_semaphore, #tpu.memory_space<semaphore_mem>>)
    %dma_start3A_14 = arith.constant 1 : i32
    %dma_start3A_15 = arith.constant 128 : i32
    %dma_start3A_16 = arith.constant 0 : i32
    %dma_start3A_17 = tpu.memref_slice %arg7[%dma_start3A_15, %dma_start3A_16] : memref<512x64xf32, #tpu.memory_space<vmem>> -> memref<128x64xf32, #tpu.memory_space<vmem>>
    %dma_start3A_18 = arith.constant 0 : i32
    %dma_start3A_19 = tpu.memref_slice %arg5[%dma_start3A_14, %dma_start3A_18] : memref<4x128xi32, #tpu.memory_space<vmem>> -> memref<1x128xi32, #tpu.memory_space<vmem>>
    %dma_start3A_20 = tpu.memref_squeeze %dma_start3A_19 : memref<1x128xi32, #tpu.memory_space<vmem>> -> memref<128xi32, #tpu.memory_space<vmem>>
    %dma_start3A_21 = arith.constant 0 : i32
    %dma_start3A_22 = arith.constant 0 : i32
    %dma_start3A_23 = tpu.memref_slice %arg2[%dma_start3A_21, %dma_start3A_22] : memref<1000000x64xf32, #tpu.memory_space<hbm>> -> memref<1000000x64xf32, #tpu.memory_space<hbm>>
    tpu.enqueue_indirect_dma source(%dma_start3A_23 : memref<1000000x64xf32, #tpu.memory_space<hbm>>) target(%dma_start3A_17 : memref<128x64xf32, #tpu.memory_space<vmem>>) offsets(%dma_start3A_20 : memref<128xi32, #tpu.memory_space<vmem>>) semaphore(%arg9 : memref<!tpu.dma_semaphore, #tpu.memory_space<semaphore_mem>>)
    %dma_start3A_24 = arith.constant 2 : i32
    %dma_start3A_25 = arith.constant 256 : i32
    %dma_start3A_26 = arith.constant 0 : i32
    %dma_start3A_27 = tpu.memref_slice %arg7[%dma_start3A_25, %dma_start3A_26] : memref<512x64xf32, #tpu.memory_space<vmem>> -> memref<128x64xf32, #tpu.memory_space<vmem>>
    %dma_start3A_28 = arith.constant 0 : i32
    %dma_start3A_29 = tpu.memref_slice %arg5[%dma_start3A_24, %dma_start3A_28] : memref<4x128xi32, #tpu.memory_space<vmem>> -> memref<1x128xi32, #tpu.memory_space<vmem>>
    %dma_start3A_30 = tpu.memref_squeeze %dma_start3A_29 : memref<1x128xi32, #tpu.memory_space<vmem>> -> memref<128xi32, #tpu.memory_space<vmem>>
    %dma_start3A_31 = arith.constant 0 : i32
    %dma_start3A_32 = arith.constant 0 : i32
    %dma_start3A_33 = tpu.memref_slice %arg2[%dma_start3A_31, %dma_start3A_32] : memref<1000000x64xf32, #tpu.memory_space<hbm>> -> memref<1000000x64xf32, #tpu.memory_space<hbm>>
    tpu.enqueue_indirect_dma source(%dma_start3A_33 : memref<1000000x64xf32, #tpu.memory_space<hbm>>) target(%dma_start3A_27 : memref<128x64xf32, #tpu.memory_space<vmem>>) offsets(%dma_start3A_30 : memref<128xi32, #tpu.memory_space<vmem>>) semaphore(%arg9 : memref<!tpu.dma_semaphore, #tpu.memory_space<semaphore_mem>>)
    %dma_start3A_34 = arith.constant 3 : i32
    %dma_start3A_35 = arith.constant 384 : i32
    %dma_start3A_36 = arith.constant 0 : i32
    %dma_start3A_37 = tpu.memref_slice %arg7[%dma_start3A_35, %dma_start3A_36] : memref<512x64xf32, #tpu.memory_space<vmem>> -> memref<128x64xf32, #tpu.memory_space<vmem>>
    %dma_start3A_38 = arith.constant 0 : i32
    %dma_start3A_39 = tpu.memref_slice %arg5[%dma_start3A_34, %dma_start3A_38] : memref<4x128xi32, #tpu.memory_space<vmem>> -> memref<1x128xi32, #tpu.memory_space<vmem>>
    %dma_start3A_40 = tpu.memref_squeeze %dma_start3A_39 : memref<1x128xi32, #tpu.memory_space<vmem>> -> memref<128xi32, #tpu.memory_space<vmem>>
    %dma_start3A_41 = arith.constant 0 : i32
    %dma_start3A_42 = arith.constant 0 : i32
    %dma_start3A_43 = tpu.memref_slice %arg2[%dma_start3A_41, %dma_start3A_42] : memref<1000000x64xf32, #tpu.memory_space<hbm>> -> memref<1000000x64xf32, #tpu.memory_space<hbm>>
    tpu.enqueue_indirect_dma source(%dma_start3A_43 : memref<1000000x64xf32, #tpu.memory_space<hbm>>) target(%dma_start3A_37 : memref<128x64xf32, #tpu.memory_space<vmem>>) offsets(%dma_start3A_40 : memref<128xi32, #tpu.memory_space<vmem>>) semaphore(%arg9 : memref<!tpu.dma_semaphore, #tpu.memory_space<semaphore_mem>>)
    %add3A_44 = arith.constant 4 : i32
    %add3A_45 = arith.addi %mul3A_2, %add3A_44 : i32
    "tpu.region"() ({
      %run_scoped3A = tpu.sem_alloc : memref<!tpu.dma_semaphore, #tpu.memory_space<semaphore_mem>>
      %dma_start3A_178 = arith.constant 0 : i32
      %dma_start3A_179 = tpu.memref_slice %arg3[%add3A_45, %dma_start3A_178] : memref<6400x128xi32, #tpu.memory_space<hbm>> -> memref<4x128xi32, #tpu.memory_space<hbm>>
      %dma_start3A_180 = arith.constant 0 : i32
      %dma_start3A_181 = tpu.memref_slice %arg3[%add3A_45, %dma_start3A_180] : memref<6400x128xi32, #tpu.memory_space<hbm>> -> memref<4x128xi32, #tpu.memory_space<hbm>>
      tpu.enqueue_dma source(%dma_start3A_181 : memref<4x128xi32, #tpu.memory_space<hbm>>) target(%arg6 : memref<4x128xi32, #tpu.memory_space<vmem>>) target_semaphore(%run_scoped3A : memref<!tpu.dma_semaphore, #tpu.memory_space<semaphore_mem>>)
      %dma_wait3A_182 = arith.constant 0 : i32
      %dma_wait3A_183 = tpu.memref_slice %arg3[%add3A_45, %dma_wait3A_182] : memref<6400x128xi32, #tpu.memory_space<hbm>> -> memref<4x128xi32, #tpu.memory_space<hbm>>
      %dma_wait3A_184 = arith.constant 0 : i32
      %dma_wait3A_185 = tpu.memref_slice %arg3[%add3A_45, %dma_wait3A_184] : memref<6400x128xi32, #tpu.memory_space<hbm>> -> memref<4x128xi32, #tpu.memory_space<hbm>>
      tpu.wait_dma2 semaphore(%run_scoped3A : memref<!tpu.dma_semaphore, #tpu.memory_space<semaphore_mem>>) src(%dma_wait3A_185 : memref<4x128xi32, #tpu.memory_space<hbm>>) dst(%arg6 : memref<4x128xi32, #tpu.memory_space<vmem>>)
      tpu.yield
    }) : () -> ()
    %dma_start3A_46 = arith.constant 0 : i32
    %dma_start3A_47 = arith.constant 0 : i32
    %dma_start3A_48 = arith.constant 0 : i32
    %dma_start3A_49 = tpu.memref_slice %arg8[%dma_start3A_47, %dma_start3A_48] : memref<512x64xf32, #tpu.memory_space<vmem>> -> memref<128x64xf32, #tpu.memory_space<vmem>>
    %dma_start3A_50 = arith.constant 0 : i32
    %dma_start3A_51 = tpu.memref_slice %arg6[%dma_start3A_46, %dma_start3A_50] : memref<4x128xi32, #tpu.memory_space<vmem>> -> memref<1x128xi32, #tpu.memory_space<vmem>>
    %dma_start3A_52 = tpu.memref_squeeze %dma_start3A_51 : memref<1x128xi32, #tpu.memory_space<vmem>> -> memref<128xi32, #tpu.memory_space<vmem>>
    %dma_start3A_53 = arith.constant 0 : i32
    %dma_start3A_54 = arith.constant 0 : i32
    %dma_start3A_55 = tpu.memref_slice %arg2[%dma_start3A_53, %dma_start3A_54] : memref<1000000x64xf32, #tpu.memory_space<hbm>> -> memref<1000000x64xf32, #tpu.memory_space<hbm>>
    tpu.enqueue_indirect_dma source(%dma_start3A_55 : memref<1000000x64xf32, #tpu.memory_space<hbm>>) target(%dma_start3A_49 : memref<128x64xf32, #tpu.memory_space<vmem>>) offsets(%dma_start3A_52 : memref<128xi32, #tpu.memory_space<vmem>>) semaphore(%arg10 : memref<!tpu.dma_semaphore, #tpu.memory_space<semaphore_mem>>)
    %dma_start3A_56 = arith.constant 1 : i32
    %dma_start3A_57 = arith.constant 128 : i32
    %dma_start3A_58 = arith.constant 0 : i32
    %dma_start3A_59 = tpu.memref_slice %arg8[%dma_start3A_57, %dma_start3A_58] : memref<512x64xf32, #tpu.memory_space<vmem>> -> memref<128x64xf32, #tpu.memory_space<vmem>>
    %dma_start3A_60 = arith.constant 0 : i32
    %dma_start3A_61 = tpu.memref_slice %arg6[%dma_start3A_56, %dma_start3A_60] : memref<4x128xi32, #tpu.memory_space<vmem>> -> memref<1x128xi32, #tpu.memory_space<vmem>>
    %dma_start3A_62 = tpu.memref_squeeze %dma_start3A_61 : memref<1x128xi32, #tpu.memory_space<vmem>> -> memref<128xi32, #tpu.memory_space<vmem>>
    %dma_start3A_63 = arith.constant 0 : i32
    %dma_start3A_64 = arith.constant 0 : i32
    %dma_start3A_65 = tpu.memref_slice %arg2[%dma_start3A_63, %dma_start3A_64] : memref<1000000x64xf32, #tpu.memory_space<hbm>> -> memref<1000000x64xf32, #tpu.memory_space<hbm>>
    tpu.enqueue_indirect_dma source(%dma_start3A_65 : memref<1000000x64xf32, #tpu.memory_space<hbm>>) target(%dma_start3A_59 : memref<128x64xf32, #tpu.memory_space<vmem>>) offsets(%dma_start3A_62 : memref<128xi32, #tpu.memory_space<vmem>>) semaphore(%arg10 : memref<!tpu.dma_semaphore, #tpu.memory_space<semaphore_mem>>)
    %dma_start3A_66 = arith.constant 2 : i32
    %dma_start3A_67 = arith.constant 256 : i32
    %dma_start3A_68 = arith.constant 0 : i32
    %dma_start3A_69 = tpu.memref_slice %arg8[%dma_start3A_67, %dma_start3A_68] : memref<512x64xf32, #tpu.memory_space<vmem>> -> memref<128x64xf32, #tpu.memory_space<vmem>>
    %dma_start3A_70 = arith.constant 0 : i32
    %dma_start3A_71 = tpu.memref_slice %arg6[%dma_start3A_66, %dma_start3A_70] : memref<4x128xi32, #tpu.memory_space<vmem>> -> memref<1x128xi32, #tpu.memory_space<vmem>>
    %dma_start3A_72 = tpu.memref_squeeze %dma_start3A_71 : memref<1x128xi32, #tpu.memory_space<vmem>> -> memref<128xi32, #tpu.memory_space<vmem>>
    %dma_start3A_73 = arith.constant 0 : i32
    %dma_start3A_74 = arith.constant 0 : i32
    %dma_start3A_75 = tpu.memref_slice %arg2[%dma_start3A_73, %dma_start3A_74] : memref<1000000x64xf32, #tpu.memory_space<hbm>> -> memref<1000000x64xf32, #tpu.memory_space<hbm>>
    tpu.enqueue_indirect_dma source(%dma_start3A_75 : memref<1000000x64xf32, #tpu.memory_space<hbm>>) target(%dma_start3A_69 : memref<128x64xf32, #tpu.memory_space<vmem>>) offsets(%dma_start3A_72 : memref<128xi32, #tpu.memory_space<vmem>>) semaphore(%arg10 : memref<!tpu.dma_semaphore, #tpu.memory_space<semaphore_mem>>)
    %dma_start3A_76 = arith.constant 3 : i32
    %dma_start3A_77 = arith.constant 384 : i32
    %dma_start3A_78 = arith.constant 0 : i32
    %dma_start3A_79 = tpu.memref_slice %arg8[%dma_start3A_77, %dma_start3A_78] : memref<512x64xf32, #tpu.memory_space<vmem>> -> memref<128x64xf32, #tpu.memory_space<vmem>>
    %dma_start3A_80 = arith.constant 0 : i32
    %dma_start3A_81 = tpu.memref_slice %arg6[%dma_start3A_76, %dma_start3A_80] : memref<4x128xi32, #tpu.memory_space<vmem>> -> memref<1x128xi32, #tpu.memory_space<vmem>>
    %dma_start3A_82 = tpu.memref_squeeze %dma_start3A_81 : memref<1x128xi32, #tpu.memory_space<vmem>> -> memref<128xi32, #tpu.memory_space<vmem>>
    %dma_start3A_83 = arith.constant 0 : i32
    %dma_start3A_84 = arith.constant 0 : i32
    %dma_start3A_85 = tpu.memref_slice %arg2[%dma_start3A_83, %dma_start3A_84] : memref<1000000x64xf32, #tpu.memory_space<hbm>> -> memref<1000000x64xf32, #tpu.memory_space<hbm>>
    tpu.enqueue_indirect_dma source(%dma_start3A_85 : memref<1000000x64xf32, #tpu.memory_space<hbm>>) target(%dma_start3A_79 : memref<128x64xf32, #tpu.memory_space<vmem>>) offsets(%dma_start3A_82 : memref<128xi32, #tpu.memory_space<vmem>>) semaphore(%arg10 : memref<!tpu.dma_semaphore, #tpu.memory_space<semaphore_mem>>)
    %scan3A = arith.constant 0 : i32
    %scan3A_86 = arith.constant 0 : i32
    %scan3A_87 = arith.constant 24 : i32
    %scan3A_88 = arith.addi %scan3A_86, %scan3A_87 : i32
    %scan3A_89 = arith.constant 1 : i32
    scf.for %scan3A_178 = %scan3A_86 to %scan3A_88 step %scan3A_89  : i32 {
      %mul3A_179 = arith.constant 2 : i32
      %mul3A_180 = arith.muli %scan3A_178, %mul3A_179 : i32
      %add3A_181 = arith.constant 0 : i32
      %add3A_182 = arith.addi %mul3A_180, %add3A_181 : i32
      %mul3A_183 = arith.constant 4 : i32
      %mul3A_184 = arith.muli %add3A_182, %mul3A_183 : i32
      %add3A_185 = arith.addi %mul3A_2, %mul3A_184 : i32
      %dma_wait3A_186 = arith.constant 0 : i32
      %dma_wait3A_187 = arith.constant 0 : i32
      %dma_wait3A_188 = arith.constant 0 : i32
      %dma_wait3A_189 = tpu.memref_slice %arg7[%dma_wait3A_187, %dma_wait3A_188] : memref<512x64xf32, #tpu.memory_space<vmem>> -> memref<128x64xf32, #tpu.memory_space<vmem>>
      %dma_wait3A_190 = arith.constant 0 : i32
      %dma_wait3A_191 = tpu.memref_slice %arg5[%dma_wait3A_186, %dma_wait3A_190] : memref<4x128xi32, #tpu.memory_space<vmem>> -> memref<1x128xi32, #tpu.memory_space<vmem>>
      %dma_wait3A_192 = tpu.memref_squeeze %dma_wait3A_191 : memref<1x128xi32, #tpu.memory_space<vmem>> -> memref<128xi32, #tpu.memory_space<vmem>>
      %dma_wait3A_193 = arith.constant 0 : i32
      %dma_wait3A_194 = arith.constant 0 : i32
      %dma_wait3A_195 = tpu.memref_slice %arg2[%dma_wait3A_193, %dma_wait3A_194] : memref<1000000x64xf32, #tpu.memory_space<hbm>> -> memref<1000000x64xf32, #tpu.memory_space<hbm>>
      tpu.wait_indirect_dma semaphore(%arg9 : memref<!tpu.dma_semaphore, #tpu.memory_space<semaphore_mem>>) src(%dma_wait3A_195 : memref<1000000x64xf32, #tpu.memory_space<hbm>>) dst(%dma_wait3A_189 : memref<128x64xf32, #tpu.memory_space<vmem>>)
      %dma_wait3A_196 = arith.constant 1 : i32
      %dma_wait3A_197 = arith.constant 128 : i32
      %dma_wait3A_198 = arith.constant 0 : i32
      %dma_wait3A_199 = tpu.memref_slice %arg7[%dma_wait3A_197, %dma_wait3A_198] : memref<512x64xf32, #tpu.memory_space<vmem>> -> memref<128x64xf32, #tpu.memory_space<vmem>>
      %dma_wait3A_200 = arith.constant 0 : i32
      %dma_wait3A_201 = tpu.memref_slice %arg5[%dma_wait3A_196, %dma_wait3A_200] : memref<4x128xi32, #tpu.memory_space<vmem>> -> memref<1x128xi32, #tpu.memory_space<vmem>>
      %dma_wait3A_202 = tpu.memref_squeeze %dma_wait3A_201 : memref<1x128xi32, #tpu.memory_space<vmem>> -> memref<128xi32, #tpu.memory_space<vmem>>
      %dma_wait3A_203 = arith.constant 0 : i32
      %dma_wait3A_204 = arith.constant 0 : i32
      %dma_wait3A_205 = tpu.memref_slice %arg2[%dma_wait3A_203, %dma_wait3A_204] : memref<1000000x64xf32, #tpu.memory_space<hbm>> -> memref<1000000x64xf32, #tpu.memory_space<hbm>>
      tpu.wait_indirect_dma semaphore(%arg9 : memref<!tpu.dma_semaphore, #tpu.memory_space<semaphore_mem>>) src(%dma_wait3A_205 : memref<1000000x64xf32, #tpu.memory_space<hbm>>) dst(%dma_wait3A_199 : memref<128x64xf32, #tpu.memory_space<vmem>>)
      %dma_wait3A_206 = arith.constant 2 : i32
      %dma_wait3A_207 = arith.constant 256 : i32
      %dma_wait3A_208 = arith.constant 0 : i32
      %dma_wait3A_209 = tpu.memref_slice %arg7[%dma_wait3A_207, %dma_wait3A_208] : memref<512x64xf32, #tpu.memory_space<vmem>> -> memref<128x64xf32, #tpu.memory_space<vmem>>
      %dma_wait3A_210 = arith.constant 0 : i32
      %dma_wait3A_211 = tpu.memref_slice %arg5[%dma_wait3A_206, %dma_wait3A_210] : memref<4x128xi32, #tpu.memory_space<vmem>> -> memref<1x128xi32, #tpu.memory_space<vmem>>
      %dma_wait3A_212 = tpu.memref_squeeze %dma_wait3A_211 : memref<1x128xi32, #tpu.memory_space<vmem>> -> memref<128xi32, #tpu.memory_space<vmem>>
      %dma_wait3A_213 = arith.constant 0 : i32
      %dma_wait3A_214 = arith.constant 0 : i32
      %dma_wait3A_215 = tpu.memref_slice %arg2[%dma_wait3A_213, %dma_wait3A_214] : memref<1000000x64xf32, #tpu.memory_space<hbm>> -> memref<1000000x64xf32, #tpu.memory_space<hbm>>
      tpu.wait_indirect_dma semaphore(%arg9 : memref<!tpu.dma_semaphore, #tpu.memory_space<semaphore_mem>>) src(%dma_wait3A_215 : memref<1000000x64xf32, #tpu.memory_space<hbm>>) dst(%dma_wait3A_209 : memref<128x64xf32, #tpu.memory_space<vmem>>)
      %dma_wait3A_216 = arith.constant 3 : i32
      %dma_wait3A_217 = arith.constant 384 : i32
      %dma_wait3A_218 = arith.constant 0 : i32
      %dma_wait3A_219 = tpu.memref_slice %arg7[%dma_wait3A_217, %dma_wait3A_218] : memref<512x64xf32, #tpu.memory_space<vmem>> -> memref<128x64xf32, #tpu.memory_space<vmem>>
      %dma_wait3A_220 = arith.constant 0 : i32
      %dma_wait3A_221 = tpu.memref_slice %arg5[%dma_wait3A_216, %dma_wait3A_220] : memref<4x128xi32, #tpu.memory_space<vmem>> -> memref<1x128xi32, #tpu.memory_space<vmem>>
      %dma_wait3A_222 = tpu.memref_squeeze %dma_wait3A_221 : memref<1x128xi32, #tpu.memory_space<vmem>> -> memref<128xi32, #tpu.memory_space<vmem>>
      %dma_wait3A_223 = arith.constant 0 : i32
      %dma_wait3A_224 = arith.constant 0 : i32
      %dma_wait3A_225 = tpu.memref_slice %arg2[%dma_wait3A_223, %dma_wait3A_224] : memref<1000000x64xf32, #tpu.memory_space<hbm>> -> memref<1000000x64xf32, #tpu.memory_space<hbm>>
      tpu.wait_indirect_dma semaphore(%arg9 : memref<!tpu.dma_semaphore, #tpu.memory_space<semaphore_mem>>) src(%dma_wait3A_225 : memref<1000000x64xf32, #tpu.memory_space<hbm>>) dst(%dma_wait3A_219 : memref<128x64xf32, #tpu.memory_space<vmem>>)
      %mul3A_226 = arith.constant 128 : i32
      %mul3A_227 = arith.muli %add3A_185, %mul3A_226 : i32
      %dma_start3A_228 = arith.constant 0 : i32
      %dma_start3A_229 = tpu.memref_slice %arg4[%mul3A_227, %dma_start3A_228] : memref<819200x64xf32, #tpu.memory_space<hbm>> -> memref<512x64xf32, #tpu.memory_space<hbm>>
      %dma_start3A_230 = arith.constant 0 : i32
      %dma_start3A_231 = tpu.memref_slice %arg4[%mul3A_227, %dma_start3A_230] : memref<819200x64xf32, #tpu.memory_space<hbm>> -> memref<512x64xf32, #tpu.memory_space<hbm>>
      tpu.enqueue_dma source(%arg7 : memref<512x64xf32, #tpu.memory_space<vmem>>) target(%dma_start3A_231 : memref<512x64xf32, #tpu.memory_space<hbm>>) target_semaphore(%arg11 : memref<!tpu.dma_semaphore, #tpu.memory_space<semaphore_mem>>)
      %add3A_232 = arith.constant 8 : i32
      %add3A_233 = arith.addi %add3A_185, %add3A_232 : i32
      "tpu.region"() ({
        %run_scoped3A = tpu.sem_alloc : memref<!tpu.dma_semaphore, #tpu.memory_space<semaphore_mem>>
        %dma_start3A_381 = arith.constant 0 : i32
        %dma_start3A_382 = tpu.memref_slice %arg3[%add3A_233, %dma_start3A_381] : memref<6400x128xi32, #tpu.memory_space<hbm>> -> memref<4x128xi32, #tpu.memory_space<hbm>>
        %dma_start3A_383 = arith.constant 0 : i32
        %dma_start3A_384 = tpu.memref_slice %arg3[%add3A_233, %dma_start3A_383] : memref<6400x128xi32, #tpu.memory_space<hbm>> -> memref<4x128xi32, #tpu.memory_space<hbm>>
        tpu.enqueue_dma source(%dma_start3A_384 : memref<4x128xi32, #tpu.memory_space<hbm>>) target(%arg5 : memref<4x128xi32, #tpu.memory_space<vmem>>) target_semaphore(%run_scoped3A : memref<!tpu.dma_semaphore, #tpu.memory_space<semaphore_mem>>)
        %dma_wait3A_385 = arith.constant 0 : i32
        %dma_wait3A_386 = tpu.memref_slice %arg3[%add3A_233, %dma_wait3A_385] : memref<6400x128xi32, #tpu.memory_space<hbm>> -> memref<4x128xi32, #tpu.memory_space<hbm>>
        %dma_wait3A_387 = arith.constant 0 : i32
        %dma_wait3A_388 = tpu.memref_slice %arg3[%add3A_233, %dma_wait3A_387] : memref<6400x128xi32, #tpu.memory_space<hbm>> -> memref<4x128xi32, #tpu.memory_space<hbm>>
        tpu.wait_dma2 semaphore(%run_scoped3A : memref<!tpu.dma_semaphore, #tpu.memory_space<semaphore_mem>>) src(%dma_wait3A_388 : memref<4x128xi32, #tpu.memory_space<hbm>>) dst(%arg5 : memref<4x128xi32, #tpu.memory_space<vmem>>)
        tpu.yield
      }) : () -> ()
      %dma_wait3A_234 = arith.constant 0 : i32
      %dma_wait3A_235 = arith.constant 0 : i32
      %dma_wait3A_236 = tpu.memref_slice %arg4[%dma_wait3A_234, %dma_wait3A_235] : memref<819200x64xf32, #tpu.memory_space<hbm>> -> memref<512x64xf32, #tpu.memory_space<hbm>>
      %dma_wait3A_237 = arith.constant 0 : i32
      %dma_wait3A_238 = arith.constant 0 : i32
      %dma_wait3A_239 = tpu.memref_slice %arg4[%dma_wait3A_237, %dma_wait3A_238] : memref<819200x64xf32, #tpu.memory_space<hbm>> -> memref<512x64xf32, #tpu.memory_space<hbm>>
      tpu.wait_dma2 semaphore(%arg11 : memref<!tpu.dma_semaphore, #tpu.memory_space<semaphore_mem>>) src(%arg7 : memref<512x64xf32, #tpu.memory_space<vmem>>) dst(%dma_wait3A_239 : memref<512x64xf32, #tpu.memory_space<hbm>>)
      %dma_start3A_240 = arith.constant 0 : i32
      %dma_start3A_241 = arith.constant 0 : i32
      %dma_start3A_242 = arith.constant 0 : i32
      %dma_start3A_243 = tpu.memref_slice %arg7[%dma_start3A_241, %dma_start3A_242] : memref<512x64xf32, #tpu.memory_space<vmem>> -> memref<128x64xf32, #tpu.memory_space<vmem>>
      %dma_start3A_244 = arith.constant 0 : i32
      %dma_start3A_245 = tpu.memref_slice %arg5[%dma_start3A_240, %dma_start3A_244] : memref<4x128xi32, #tpu.memory_space<vmem>> -> memref<1x128xi32, #tpu.memory_space<vmem>>
      %dma_start3A_246 = tpu.memref_squeeze %dma_start3A_245 : memref<1x128xi32, #tpu.memory_space<vmem>> -> memref<128xi32, #tpu.memory_space<vmem>>
      %dma_start3A_247 = arith.constant 0 : i32
      %dma_start3A_248 = arith.constant 0 : i32
      %dma_start3A_249 = tpu.memref_slice %arg2[%dma_start3A_247, %dma_start3A_248] : memref<1000000x64xf32, #tpu.memory_space<hbm>> -> memref<1000000x64xf32, #tpu.memory_space<hbm>>
      tpu.enqueue_indirect_dma source(%dma_start3A_249 : memref<1000000x64xf32, #tpu.memory_space<hbm>>) target(%dma_start3A_243 : memref<128x64xf32, #tpu.memory_space<vmem>>) offsets(%dma_start3A_246 : memref<128xi32, #tpu.memory_space<vmem>>) semaphore(%arg9 : memref<!tpu.dma_semaphore, #tpu.memory_space<semaphore_mem>>)
      %dma_start3A_250 = arith.constant 1 : i32
      %dma_start3A_251 = arith.constant 128 : i32
      %dma_start3A_252 = arith.constant 0 : i32
      %dma_start3A_253 = tpu.memref_slice %arg7[%dma_start3A_251, %dma_start3A_252] : memref<512x64xf32, #tpu.memory_space<vmem>> -> memref<128x64xf32, #tpu.memory_space<vmem>>
      %dma_start3A_254 = arith.constant 0 : i32
      %dma_start3A_255 = tpu.memref_slice %arg5[%dma_start3A_250, %dma_start3A_254] : memref<4x128xi32, #tpu.memory_space<vmem>> -> memref<1x128xi32, #tpu.memory_space<vmem>>
      %dma_start3A_256 = tpu.memref_squeeze %dma_start3A_255 : memref<1x128xi32, #tpu.memory_space<vmem>> -> memref<128xi32, #tpu.memory_space<vmem>>
      %dma_start3A_257 = arith.constant 0 : i32
      %dma_start3A_258 = arith.constant 0 : i32
      %dma_start3A_259 = tpu.memref_slice %arg2[%dma_start3A_257, %dma_start3A_258] : memref<1000000x64xf32, #tpu.memory_space<hbm>> -> memref<1000000x64xf32, #tpu.memory_space<hbm>>
      tpu.enqueue_indirect_dma source(%dma_start3A_259 : memref<1000000x64xf32, #tpu.memory_space<hbm>>) target(%dma_start3A_253 : memref<128x64xf32, #tpu.memory_space<vmem>>) offsets(%dma_start3A_256 : memref<128xi32, #tpu.memory_space<vmem>>) semaphore(%arg9 : memref<!tpu.dma_semaphore, #tpu.memory_space<semaphore_mem>>)
      %dma_start3A_260 = arith.constant 2 : i32
      %dma_start3A_261 = arith.constant 256 : i32
      %dma_start3A_262 = arith.constant 0 : i32
      %dma_start3A_263 = tpu.memref_slice %arg7[%dma_start3A_261, %dma_start3A_262] : memref<512x64xf32, #tpu.memory_space<vmem>> -> memref<128x64xf32, #tpu.memory_space<vmem>>
      %dma_start3A_264 = arith.constant 0 : i32
      %dma_start3A_265 = tpu.memref_slice %arg5[%dma_start3A_260, %dma_start3A_264] : memref<4x128xi32, #tpu.memory_space<vmem>> -> memref<1x128xi32, #tpu.memory_space<vmem>>
      %dma_start3A_266 = tpu.memref_squeeze %dma_start3A_265 : memref<1x128xi32, #tpu.memory_space<vmem>> -> memref<128xi32, #tpu.memory_space<vmem>>
      %dma_start3A_267 = arith.constant 0 : i32
      %dma_start3A_268 = arith.constant 0 : i32
      %dma_start3A_269 = tpu.memref_slice %arg2[%dma_start3A_267, %dma_start3A_268] : memref<1000000x64xf32, #tpu.memory_space<hbm>> -> memref<1000000x64xf32, #tpu.memory_space<hbm>>
      tpu.enqueue_indirect_dma source(%dma_start3A_269 : memref<1000000x64xf32, #tpu.memory_space<hbm>>) target(%dma_start3A_263 : memref<128x64xf32, #tpu.memory_space<vmem>>) offsets(%dma_start3A_266 : memref<128xi32, #tpu.memory_space<vmem>>) semaphore(%arg9 : memref<!tpu.dma_semaphore, #tpu.memory_space<semaphore_mem>>)
      %dma_start3A_270 = arith.constant 3 : i32
      %dma_start3A_271 = arith.constant 384 : i32
      %dma_start3A_272 = arith.constant 0 : i32
      %dma_start3A_273 = tpu.memref_slice %arg7[%dma_start3A_271, %dma_start3A_272] : memref<512x64xf32, #tpu.memory_space<vmem>> -> memref<128x64xf32, #tpu.memory_space<vmem>>
      %dma_start3A_274 = arith.constant 0 : i32
      %dma_start3A_275 = tpu.memref_slice %arg5[%dma_start3A_270, %dma_start3A_274] : memref<4x128xi32, #tpu.memory_space<vmem>> -> memref<1x128xi32, #tpu.memory_space<vmem>>
      %dma_start3A_276 = tpu.memref_squeeze %dma_start3A_275 : memref<1x128xi32, #tpu.memory_space<vmem>> -> memref<128xi32, #tpu.memory_space<vmem>>
      %dma_start3A_277 = arith.constant 0 : i32
      %dma_start3A_278 = arith.constant 0 : i32
      %dma_start3A_279 = tpu.memref_slice %arg2[%dma_start3A_277, %dma_start3A_278] : memref<1000000x64xf32, #tpu.memory_space<hbm>> -> memref<1000000x64xf32, #tpu.memory_space<hbm>>
      tpu.enqueue_indirect_dma source(%dma_start3A_279 : memref<1000000x64xf32, #tpu.memory_space<hbm>>) target(%dma_start3A_273 : memref<128x64xf32, #tpu.memory_space<vmem>>) offsets(%dma_start3A_276 : memref<128xi32, #tpu.memory_space<vmem>>) semaphore(%arg9 : memref<!tpu.dma_semaphore, #tpu.memory_space<semaphore_mem>>)
      %mul3A_280 = arith.constant 2 : i32
      %mul3A_281 = arith.muli %scan3A_178, %mul3A_280 : i32
      %add3A_282 = arith.constant 1 : i32
      %add3A_283 = arith.addi %mul3A_281, %add3A_282 : i32
      %mul3A_284 = arith.constant 4 : i32
      %mul3A_285 = arith.muli %add3A_283, %mul3A_284 : i32
      %add3A_286 = arith.addi %mul3A_2, %mul3A_285 : i32
      %dma_wait3A_287 = arith.constant 0 : i32
      %dma_wait3A_288 = arith.constant 0 : i32
      %dma_wait3A_289 = arith.constant 0 : i32
      %dma_wait3A_290 = tpu.memref_slice %arg8[%dma_wait3A_288, %dma_wait3A_289] : memref<512x64xf32, #tpu.memory_space<vmem>> -> memref<128x64xf32, #tpu.memory_space<vmem>>
      %dma_wait3A_291 = arith.constant 0 : i32
      %dma_wait3A_292 = tpu.memref_slice %arg6[%dma_wait3A_287, %dma_wait3A_291] : memref<4x128xi32, #tpu.memory_space<vmem>> -> memref<1x128xi32, #tpu.memory_space<vmem>>
      %dma_wait3A_293 = tpu.memref_squeeze %dma_wait3A_292 : memref<1x128xi32, #tpu.memory_space<vmem>> -> memref<128xi32, #tpu.memory_space<vmem>>
      %dma_wait3A_294 = arith.constant 0 : i32
      %dma_wait3A_295 = arith.constant 0 : i32
      %dma_wait3A_296 = tpu.memref_slice %arg2[%dma_wait3A_294, %dma_wait3A_295] : memref<1000000x64xf32, #tpu.memory_space<hbm>> -> memref<1000000x64xf32, #tpu.memory_space<hbm>>
      tpu.wait_indirect_dma semaphore(%arg10 : memref<!tpu.dma_semaphore, #tpu.memory_space<semaphore_mem>>) src(%dma_wait3A_296 : memref<1000000x64xf32, #tpu.memory_space<hbm>>) dst(%dma_wait3A_290 : memref<128x64xf32, #tpu.memory_space<vmem>>)
      %dma_wait3A_297 = arith.constant 1 : i32
      %dma_wait3A_298 = arith.constant 128 : i32
      %dma_wait3A_299 = arith.constant 0 : i32
      %dma_wait3A_300 = tpu.memref_slice %arg8[%dma_wait3A_298, %dma_wait3A_299] : memref<512x64xf32, #tpu.memory_space<vmem>> -> memref<128x64xf32, #tpu.memory_space<vmem>>
      %dma_wait3A_301 = arith.constant 0 : i32
      %dma_wait3A_302 = tpu.memref_slice %arg6[%dma_wait3A_297, %dma_wait3A_301] : memref<4x128xi32, #tpu.memory_space<vmem>> -> memref<1x128xi32, #tpu.memory_space<vmem>>
      %dma_wait3A_303 = tpu.memref_squeeze %dma_wait3A_302 : memref<1x128xi32, #tpu.memory_space<vmem>> -> memref<128xi32, #tpu.memory_space<vmem>>
      %dma_wait3A_304 = arith.constant 0 : i32
      %dma_wait3A_305 = arith.constant 0 : i32
      %dma_wait3A_306 = tpu.memref_slice %arg2[%dma_wait3A_304, %dma_wait3A_305] : memref<1000000x64xf32, #tpu.memory_space<hbm>> -> memref<1000000x64xf32, #tpu.memory_space<hbm>>
      tpu.wait_indirect_dma semaphore(%arg10 : memref<!tpu.dma_semaphore, #tpu.memory_space<semaphore_mem>>) src(%dma_wait3A_306 : memref<1000000x64xf32, #tpu.memory_space<hbm>>) dst(%dma_wait3A_300 : memref<128x64xf32, #tpu.memory_space<vmem>>)
      %dma_wait3A_307 = arith.constant 2 : i32
      %dma_wait3A_308 = arith.constant 256 : i32
      %dma_wait3A_309 = arith.constant 0 : i32
      %dma_wait3A_310 = tpu.memref_slice %arg8[%dma_wait3A_308, %dma_wait3A_309] : memref<512x64xf32, #tpu.memory_space<vmem>> -> memref<128x64xf32, #tpu.memory_space<vmem>>
      %dma_wait3A_311 = arith.constant 0 : i32
      %dma_wait3A_312 = tpu.memref_slice %arg6[%dma_wait3A_307, %dma_wait3A_311] : memref<4x128xi32, #tpu.memory_space<vmem>> -> memref<1x128xi32, #tpu.memory_space<vmem>>
      %dma_wait3A_313 = tpu.memref_squeeze %dma_wait3A_312 : memref<1x128xi32, #tpu.memory_space<vmem>> -> memref<128xi32, #tpu.memory_space<vmem>>
      %dma_wait3A_314 = arith.constant 0 : i32
      %dma_wait3A_315 = arith.constant 0 : i32
      %dma_wait3A_316 = tpu.memref_slice %arg2[%dma_wait3A_314, %dma_wait3A_315] : memref<1000000x64xf32, #tpu.memory_space<hbm>> -> memref<1000000x64xf32, #tpu.memory_space<hbm>>
      tpu.wait_indirect_dma semaphore(%arg10 : memref<!tpu.dma_semaphore, #tpu.memory_space<semaphore_mem>>) src(%dma_wait3A_316 : memref<1000000x64xf32, #tpu.memory_space<hbm>>) dst(%dma_wait3A_310 : memref<128x64xf32, #tpu.memory_space<vmem>>)
      %dma_wait3A_317 = arith.constant 3 : i32
      %dma_wait3A_318 = arith.constant 384 : i32
      %dma_wait3A_319 = arith.constant 0 : i32
      %dma_wait3A_320 = tpu.memref_slice %arg8[%dma_wait3A_318, %dma_wait3A_319] : memref<512x64xf32, #tpu.memory_space<vmem>> -> memref<128x64xf32, #tpu.memory_space<vmem>>
      %dma_wait3A_321 = arith.constant 0 : i32
      %dma_wait3A_322 = tpu.memref_slice %arg6[%dma_wait3A_317, %dma_wait3A_321] : memref<4x128xi32, #tpu.memory_space<vmem>> -> memref<1x128xi32, #tpu.memory_space<vmem>>
      %dma_wait3A_323 = tpu.memref_squeeze %dma_wait3A_322 : memref<1x128xi32, #tpu.memory_space<vmem>> -> memref<128xi32, #tpu.memory_space<vmem>>
      %dma_wait3A_324 = arith.constant 0 : i32
      %dma_wait3A_325 = arith.constant 0 : i32
      %dma_wait3A_326 = tpu.memref_slice %arg2[%dma_wait3A_324, %dma_wait3A_325] : memref<1000000x64xf32, #tpu.memory_space<hbm>> -> memref<1000000x64xf32, #tpu.memory_space<hbm>>
      tpu.wait_indirect_dma semaphore(%arg10 : memref<!tpu.dma_semaphore, #tpu.memory_space<semaphore_mem>>) src(%dma_wait3A_326 : memref<1000000x64xf32, #tpu.memory_space<hbm>>) dst(%dma_wait3A_320 : memref<128x64xf32, #tpu.memory_space<vmem>>)
      %mul3A_327 = arith.constant 128 : i32
      %mul3A_328 = arith.muli %add3A_286, %mul3A_327 : i32
      %dma_start3A_329 = arith.constant 0 : i32
      %dma_start3A_330 = tpu.memref_slice %arg4[%mul3A_328, %dma_start3A_329] : memref<819200x64xf32, #tpu.memory_space<hbm>> -> memref<512x64xf32, #tpu.memory_space<hbm>>
      %dma_start3A_331 = arith.constant 0 : i32
      %dma_start3A_332 = tpu.memref_slice %arg4[%mul3A_328, %dma_start3A_331] : memref<819200x64xf32, #tpu.memory_space<hbm>> -> memref<512x64xf32, #tpu.memory_space<hbm>>
      tpu.enqueue_dma source(%arg8 : memref<512x64xf32, #tpu.memory_space<vmem>>) target(%dma_start3A_332 : memref<512x64xf32, #tpu.memory_space<hbm>>) target_semaphore(%arg12 : memref<!tpu.dma_semaphore, #tpu.memory_space<semaphore_mem>>)
      %add3A_333 = arith.constant 8 : i32
      %add3A_334 = arith.addi %add3A_286, %add3A_333 : i32
      "tpu.region"() ({
        %run_scoped3A = tpu.sem_alloc : memref<!tpu.dma_semaphore, #tpu.memory_space<semaphore_mem>>
        %dma_start3A_381 = arith.constant 0 : i32
        %dma_start3A_382 = tpu.memref_slice %arg3[%add3A_334, %dma_start3A_381] : memref<6400x128xi32, #tpu.memory_space<hbm>> -> memref<4x128xi32, #tpu.memory_space<hbm>>
        %dma_start3A_383 = arith.constant 0 : i32
        %dma_start3A_384 = tpu.memref_slice %arg3[%add3A_334, %dma_start3A_383] : memref<6400x128xi32, #tpu.memory_space<hbm>> -> memref<4x128xi32, #tpu.memory_space<hbm>>
        tpu.enqueue_dma source(%dma_start3A_384 : memref<4x128xi32, #tpu.memory_space<hbm>>) target(%arg6 : memref<4x128xi32, #tpu.memory_space<vmem>>) target_semaphore(%run_scoped3A : memref<!tpu.dma_semaphore, #tpu.memory_space<semaphore_mem>>)
        %dma_wait3A_385 = arith.constant 0 : i32
        %dma_wait3A_386 = tpu.memref_slice %arg3[%add3A_334, %dma_wait3A_385] : memref<6400x128xi32, #tpu.memory_space<hbm>> -> memref<4x128xi32, #tpu.memory_space<hbm>>
        %dma_wait3A_387 = arith.constant 0 : i32
        %dma_wait3A_388 = tpu.memref_slice %arg3[%add3A_334, %dma_wait3A_387] : memref<6400x128xi32, #tpu.memory_space<hbm>> -> memref<4x128xi32, #tpu.memory_space<hbm>>
        tpu.wait_dma2 semaphore(%run_scoped3A : memref<!tpu.dma_semaphore, #tpu.memory_space<semaphore_mem>>) src(%dma_wait3A_388 : memref<4x128xi32, #tpu.memory_space<hbm>>) dst(%arg6 : memref<4x128xi32, #tpu.memory_space<vmem>>)
        tpu.yield
      }) : () -> ()
      %dma_wait3A_335 = arith.constant 0 : i32
      %dma_wait3A_336 = arith.constant 0 : i32
      %dma_wait3A_337 = tpu.memref_slice %arg4[%dma_wait3A_335, %dma_wait3A_336] : memref<819200x64xf32, #tpu.memory_space<hbm>> -> memref<512x64xf32, #tpu.memory_space<hbm>>
      %dma_wait3A_338 = arith.constant 0 : i32
      %dma_wait3A_339 = arith.constant 0 : i32
      %dma_wait3A_340 = tpu.memref_slice %arg4[%dma_wait3A_338, %dma_wait3A_339] : memref<819200x64xf32, #tpu.memory_space<hbm>> -> memref<512x64xf32, #tpu.memory_space<hbm>>
      tpu.wait_dma2 semaphore(%arg12 : memref<!tpu.dma_semaphore, #tpu.memory_space<semaphore_mem>>) src(%arg8 : memref<512x64xf32, #tpu.memory_space<vmem>>) dst(%dma_wait3A_340 : memref<512x64xf32, #tpu.memory_space<hbm>>)
      %dma_start3A_341 = arith.constant 0 : i32
      %dma_start3A_342 = arith.constant 0 : i32
      %dma_start3A_343 = arith.constant 0 : i32
      %dma_start3A_344 = tpu.memref_slice %arg8[%dma_start3A_342, %dma_start3A_343] : memref<512x64xf32, #tpu.memory_space<vmem>> -> memref<128x64xf32, #tpu.memory_space<vmem>>
      %dma_start3A_345 = arith.constant 0 : i32
      %dma_start3A_346 = tpu.memref_slice %arg6[%dma_start3A_341, %dma_start3A_345] : memref<4x128xi32, #tpu.memory_space<vmem>> -> memref<1x128xi32, #tpu.memory_space<vmem>>
      %dma_start3A_347 = tpu.memref_squeeze %dma_start3A_346 : memref<1x128xi32, #tpu.memory_space<vmem>> -> memref<128xi32, #tpu.memory_space<vmem>>
      %dma_start3A_348 = arith.constant 0 : i32
      %dma_start3A_349 = arith.constant 0 : i32
      %dma_start3A_350 = tpu.memref_slice %arg2[%dma_start3A_348, %dma_start3A_349] : memref<1000000x64xf32, #tpu.memory_space<hbm>> -> memref<1000000x64xf32, #tpu.memory_space<hbm>>
      tpu.enqueue_indirect_dma source(%dma_start3A_350 : memref<1000000x64xf32, #tpu.memory_space<hbm>>) target(%dma_start3A_344 : memref<128x64xf32, #tpu.memory_space<vmem>>) offsets(%dma_start3A_347 : memref<128xi32, #tpu.memory_space<vmem>>) semaphore(%arg10 : memref<!tpu.dma_semaphore, #tpu.memory_space<semaphore_mem>>)
      %dma_start3A_351 = arith.constant 1 : i32
      %dma_start3A_352 = arith.constant 128 : i32
      %dma_start3A_353 = arith.constant 0 : i32
      %dma_start3A_354 = tpu.memref_slice %arg8[%dma_start3A_352, %dma_start3A_353] : memref<512x64xf32, #tpu.memory_space<vmem>> -> memref<128x64xf32, #tpu.memory_space<vmem>>
      %dma_start3A_355 = arith.constant 0 : i32
      %dma_start3A_356 = tpu.memref_slice %arg6[%dma_start3A_351, %dma_start3A_355] : memref<4x128xi32, #tpu.memory_space<vmem>> -> memref<1x128xi32, #tpu.memory_space<vmem>>
      %dma_start3A_357 = tpu.memref_squeeze %dma_start3A_356 : memref<1x128xi32, #tpu.memory_space<vmem>> -> memref<128xi32, #tpu.memory_space<vmem>>
      %dma_start3A_358 = arith.constant 0 : i32
      %dma_start3A_359 = arith.constant 0 : i32
      %dma_start3A_360 = tpu.memref_slice %arg2[%dma_start3A_358, %dma_start3A_359] : memref<1000000x64xf32, #tpu.memory_space<hbm>> -> memref<1000000x64xf32, #tpu.memory_space<hbm>>
      tpu.enqueue_indirect_dma source(%dma_start3A_360 : memref<1000000x64xf32, #tpu.memory_space<hbm>>) target(%dma_start3A_354 : memref<128x64xf32, #tpu.memory_space<vmem>>) offsets(%dma_start3A_357 : memref<128xi32, #tpu.memory_space<vmem>>) semaphore(%arg10 : memref<!tpu.dma_semaphore, #tpu.memory_space<semaphore_mem>>)
      %dma_start3A_361 = arith.constant 2 : i32
      %dma_start3A_362 = arith.constant 256 : i32
      %dma_start3A_363 = arith.constant 0 : i32
      %dma_start3A_364 = tpu.memref_slice %arg8[%dma_start3A_362, %dma_start3A_363] : memref<512x64xf32, #tpu.memory_space<vmem>> -> memref<128x64xf32, #tpu.memory_space<vmem>>
      %dma_start3A_365 = arith.constant 0 : i32
      %dma_start3A_366 = tpu.memref_slice %arg6[%dma_start3A_361, %dma_start3A_365] : memref<4x128xi32, #tpu.memory_space<vmem>> -> memref<1x128xi32, #tpu.memory_space<vmem>>
      %dma_start3A_367 = tpu.memref_squeeze %dma_start3A_366 : memref<1x128xi32, #tpu.memory_space<vmem>> -> memref<128xi32, #tpu.memory_space<vmem>>
      %dma_start3A_368 = arith.constant 0 : i32
      %dma_start3A_369 = arith.constant 0 : i32
      %dma_start3A_370 = tpu.memref_slice %arg2[%dma_start3A_368, %dma_start3A_369] : memref<1000000x64xf32, #tpu.memory_space<hbm>> -> memref<1000000x64xf32, #tpu.memory_space<hbm>>
      tpu.enqueue_indirect_dma source(%dma_start3A_370 : memref<1000000x64xf32, #tpu.memory_space<hbm>>) target(%dma_start3A_364 : memref<128x64xf32, #tpu.memory_space<vmem>>) offsets(%dma_start3A_367 : memref<128xi32, #tpu.memory_space<vmem>>) semaphore(%arg10 : memref<!tpu.dma_semaphore, #tpu.memory_space<semaphore_mem>>)
      %dma_start3A_371 = arith.constant 3 : i32
      %dma_start3A_372 = arith.constant 384 : i32
      %dma_start3A_373 = arith.constant 0 : i32
      %dma_start3A_374 = tpu.memref_slice %arg8[%dma_start3A_372, %dma_start3A_373] : memref<512x64xf32, #tpu.memory_space<vmem>> -> memref<128x64xf32, #tpu.memory_space<vmem>>
      %dma_start3A_375 = arith.constant 0 : i32
      %dma_start3A_376 = tpu.memref_slice %arg6[%dma_start3A_371, %dma_start3A_375] : memref<4x128xi32, #tpu.memory_space<vmem>> -> memref<1x128xi32, #tpu.memory_space<vmem>>
      %dma_start3A_377 = tpu.memref_squeeze %dma_start3A_376 : memref<1x128xi32, #tpu.memory_space<vmem>> -> memref<128xi32, #tpu.memory_space<vmem>>
      %dma_start3A_378 = arith.constant 0 : i32
      %dma_start3A_379 = arith.constant 0 : i32
      %dma_start3A_380 = tpu.memref_slice %arg2[%dma_start3A_378, %dma_start3A_379] : memref<1000000x64xf32, #tpu.memory_space<hbm>> -> memref<1000000x64xf32, #tpu.memory_space<hbm>>
      tpu.enqueue_indirect_dma source(%dma_start3A_380 : memref<1000000x64xf32, #tpu.memory_space<hbm>>) target(%dma_start3A_374 : memref<128x64xf32, #tpu.memory_space<vmem>>) offsets(%dma_start3A_377 : memref<128xi32, #tpu.memory_space<vmem>>) semaphore(%arg10 : memref<!tpu.dma_semaphore, #tpu.memory_space<semaphore_mem>>)
    }
    %scan3A_90 = arith.constant 24 : i32
    %add3A_91 = arith.constant 192 : i32
    %add3A_92 = arith.addi %mul3A_2, %add3A_91 : i32
    %dma_wait3A = arith.constant 0 : i32
    %dma_wait3A_93 = arith.constant 0 : i32
    %dma_wait3A_94 = arith.constant 0 : i32
    %dma_wait3A_95 = tpu.memref_slice %arg7[%dma_wait3A_93, %dma_wait3A_94] : memref<512x64xf32, #tpu.memory_space<vmem>> -> memref<128x64xf32, #tpu.memory_space<vmem>>
    %dma_wait3A_96 = arith.constant 0 : i32
    %dma_wait3A_97 = tpu.memref_slice %arg5[%dma_wait3A, %dma_wait3A_96] : memref<4x128xi32, #tpu.memory_space<vmem>> -> memref<1x128xi32, #tpu.memory_space<vmem>>
    %dma_wait3A_98 = tpu.memref_squeeze %dma_wait3A_97 : memref<1x128xi32, #tpu.memory_space<vmem>> -> memref<128xi32, #tpu.memory_space<vmem>>
    %dma_wait3A_99 = arith.constant 0 : i32
    %dma_wait3A_100 = arith.constant 0 : i32
    %dma_wait3A_101 = tpu.memref_slice %arg2[%dma_wait3A_99, %dma_wait3A_100] : memref<1000000x64xf32, #tpu.memory_space<hbm>> -> memref<1000000x64xf32, #tpu.memory_space<hbm>>
    tpu.wait_indirect_dma semaphore(%arg9 : memref<!tpu.dma_semaphore, #tpu.memory_space<semaphore_mem>>) src(%dma_wait3A_101 : memref<1000000x64xf32, #tpu.memory_space<hbm>>) dst(%dma_wait3A_95 : memref<128x64xf32, #tpu.memory_space<vmem>>)
    %dma_wait3A_102 = arith.constant 1 : i32
    %dma_wait3A_103 = arith.constant 128 : i32
    %dma_wait3A_104 = arith.constant 0 : i32
    %dma_wait3A_105 = tpu.memref_slice %arg7[%dma_wait3A_103, %dma_wait3A_104] : memref<512x64xf32, #tpu.memory_space<vmem>> -> memref<128x64xf32, #tpu.memory_space<vmem>>
    %dma_wait3A_106 = arith.constant 0 : i32
    %dma_wait3A_107 = tpu.memref_slice %arg5[%dma_wait3A_102, %dma_wait3A_106] : memref<4x128xi32, #tpu.memory_space<vmem>> -> memref<1x128xi32, #tpu.memory_space<vmem>>
    %dma_wait3A_108 = tpu.memref_squeeze %dma_wait3A_107 : memref<1x128xi32, #tpu.memory_space<vmem>> -> memref<128xi32, #tpu.memory_space<vmem>>
    %dma_wait3A_109 = arith.constant 0 : i32
    %dma_wait3A_110 = arith.constant 0 : i32
    %dma_wait3A_111 = tpu.memref_slice %arg2[%dma_wait3A_109, %dma_wait3A_110] : memref<1000000x64xf32, #tpu.memory_space<hbm>> -> memref<1000000x64xf32, #tpu.memory_space<hbm>>
    tpu.wait_indirect_dma semaphore(%arg9 : memref<!tpu.dma_semaphore, #tpu.memory_space<semaphore_mem>>) src(%dma_wait3A_111 : memref<1000000x64xf32, #tpu.memory_space<hbm>>) dst(%dma_wait3A_105 : memref<128x64xf32, #tpu.memory_space<vmem>>)
    %dma_wait3A_112 = arith.constant 2 : i32
    %dma_wait3A_113 = arith.constant 256 : i32
    %dma_wait3A_114 = arith.constant 0 : i32
    %dma_wait3A_115 = tpu.memref_slice %arg7[%dma_wait3A_113, %dma_wait3A_114] : memref<512x64xf32, #tpu.memory_space<vmem>> -> memref<128x64xf32, #tpu.memory_space<vmem>>
    %dma_wait3A_116 = arith.constant 0 : i32
    %dma_wait3A_117 = tpu.memref_slice %arg5[%dma_wait3A_112, %dma_wait3A_116] : memref<4x128xi32, #tpu.memory_space<vmem>> -> memref<1x128xi32, #tpu.memory_space<vmem>>
    %dma_wait3A_118 = tpu.memref_squeeze %dma_wait3A_117 : memref<1x128xi32, #tpu.memory_space<vmem>> -> memref<128xi32, #tpu.memory_space<vmem>>
    %dma_wait3A_119 = arith.constant 0 : i32
    %dma_wait3A_120 = arith.constant 0 : i32
    %dma_wait3A_121 = tpu.memref_slice %arg2[%dma_wait3A_119, %dma_wait3A_120] : memref<1000000x64xf32, #tpu.memory_space<hbm>> -> memref<1000000x64xf32, #tpu.memory_space<hbm>>
    tpu.wait_indirect_dma semaphore(%arg9 : memref<!tpu.dma_semaphore, #tpu.memory_space<semaphore_mem>>) src(%dma_wait3A_121 : memref<1000000x64xf32, #tpu.memory_space<hbm>>) dst(%dma_wait3A_115 : memref<128x64xf32, #tpu.memory_space<vmem>>)
    %dma_wait3A_122 = arith.constant 3 : i32
    %dma_wait3A_123 = arith.constant 384 : i32
    %dma_wait3A_124 = arith.constant 0 : i32
    %dma_wait3A_125 = tpu.memref_slice %arg7[%dma_wait3A_123, %dma_wait3A_124] : memref<512x64xf32, #tpu.memory_space<vmem>> -> memref<128x64xf32, #tpu.memory_space<vmem>>
    %dma_wait3A_126 = arith.constant 0 : i32
    %dma_wait3A_127 = tpu.memref_slice %arg5[%dma_wait3A_122, %dma_wait3A_126] : memref<4x128xi32, #tpu.memory_space<vmem>> -> memref<1x128xi32, #tpu.memory_space<vmem>>
    %dma_wait3A_128 = tpu.memref_squeeze %dma_wait3A_127 : memref<1x128xi32, #tpu.memory_space<vmem>> -> memref<128xi32, #tpu.memory_space<vmem>>
    %dma_wait3A_129 = arith.constant 0 : i32
    %dma_wait3A_130 = arith.constant 0 : i32
    %dma_wait3A_131 = tpu.memref_slice %arg2[%dma_wait3A_129, %dma_wait3A_130] : memref<1000000x64xf32, #tpu.memory_space<hbm>> -> memref<1000000x64xf32, #tpu.memory_space<hbm>>
    tpu.wait_indirect_dma semaphore(%arg9 : memref<!tpu.dma_semaphore, #tpu.memory_space<semaphore_mem>>) src(%dma_wait3A_131 : memref<1000000x64xf32, #tpu.memory_space<hbm>>) dst(%dma_wait3A_125 : memref<128x64xf32, #tpu.memory_space<vmem>>)
    %mul3A_132 = arith.constant 128 : i32
    %mul3A_133 = arith.muli %add3A_92, %mul3A_132 : i32
    "tpu.region"() ({
      %run_scoped3A = tpu.sem_alloc : memref<!tpu.dma_semaphore, #tpu.memory_space<semaphore_mem>>
      %dma_start3A_178 = arith.constant 0 : i32
      %dma_start3A_179 = tpu.memref_slice %arg4[%mul3A_133, %dma_start3A_178] : memref<819200x64xf32, #tpu.memory_space<hbm>> -> memref<512x64xf32, #tpu.memory_space<hbm>>
      %dma_start3A_180 = arith.constant 0 : i32
      %dma_start3A_181 = tpu.memref_slice %arg4[%mul3A_133, %dma_start3A_180] : memref<819200x64xf32, #tpu.memory_space<hbm>> -> memref<512x64xf32, #tpu.memory_space<hbm>>
      tpu.enqueue_dma source(%arg7 : memref<512x64xf32, #tpu.memory_space<vmem>>) target(%dma_start3A_181 : memref<512x64xf32, #tpu.memory_space<hbm>>) target_semaphore(%run_scoped3A : memref<!tpu.dma_semaphore, #tpu.memory_space<semaphore_mem>>)
      %dma_wait3A_182 = arith.constant 0 : i32
      %dma_wait3A_183 = tpu.memref_slice %arg4[%mul3A_133, %dma_wait3A_182] : memref<819200x64xf32, #tpu.memory_space<hbm>> -> memref<512x64xf32, #tpu.memory_space<hbm>>
      %dma_wait3A_184 = arith.constant 0 : i32
      %dma_wait3A_185 = tpu.memref_slice %arg4[%mul3A_133, %dma_wait3A_184] : memref<819200x64xf32, #tpu.memory_space<hbm>> -> memref<512x64xf32, #tpu.memory_space<hbm>>
      tpu.wait_dma2 semaphore(%run_scoped3A : memref<!tpu.dma_semaphore, #tpu.memory_space<semaphore_mem>>) src(%arg7 : memref<512x64xf32, #tpu.memory_space<vmem>>) dst(%dma_wait3A_185 : memref<512x64xf32, #tpu.memory_space<hbm>>)
      tpu.yield
    }) : () -> ()
    %add3A_134 = arith.constant 196 : i32
    %add3A_135 = arith.addi %mul3A_2, %add3A_134 : i32
    %dma_wait3A_136 = arith.constant 0 : i32
    %dma_wait3A_137 = arith.constant 0 : i32
    %dma_wait3A_138 = arith.constant 0 : i32
    %dma_wait3A_139 = tpu.memref_slice %arg8[%dma_wait3A_137, %dma_wait3A_138] : memref<512x64xf32, #tpu.memory_space<vmem>> -> memref<128x64xf32, #tpu.memory_space<vmem>>
    %dma_wait3A_140 = arith.constant 0 : i32
    %dma_wait3A_141 = tpu.memref_slice %arg6[%dma_wait3A_136, %dma_wait3A_140] : memref<4x128xi32, #tpu.memory_space<vmem>> -> memref<1x128xi32, #tpu.memory_space<vmem>>
    %dma_wait3A_142 = tpu.memref_squeeze %dma_wait3A_141 : memref<1x128xi32, #tpu.memory_space<vmem>> -> memref<128xi32, #tpu.memory_space<vmem>>
    %dma_wait3A_143 = arith.constant 0 : i32
    %dma_wait3A_144 = arith.constant 0 : i32
    %dma_wait3A_145 = tpu.memref_slice %arg2[%dma_wait3A_143, %dma_wait3A_144] : memref<1000000x64xf32, #tpu.memory_space<hbm>> -> memref<1000000x64xf32, #tpu.memory_space<hbm>>
    tpu.wait_indirect_dma semaphore(%arg10 : memref<!tpu.dma_semaphore, #tpu.memory_space<semaphore_mem>>) src(%dma_wait3A_145 : memref<1000000x64xf32, #tpu.memory_space<hbm>>) dst(%dma_wait3A_139 : memref<128x64xf32, #tpu.memory_space<vmem>>)
    %dma_wait3A_146 = arith.constant 1 : i32
    %dma_wait3A_147 = arith.constant 128 : i32
    %dma_wait3A_148 = arith.constant 0 : i32
    %dma_wait3A_149 = tpu.memref_slice %arg8[%dma_wait3A_147, %dma_wait3A_148] : memref<512x64xf32, #tpu.memory_space<vmem>> -> memref<128x64xf32, #tpu.memory_space<vmem>>
    %dma_wait3A_150 = arith.constant 0 : i32
    %dma_wait3A_151 = tpu.memref_slice %arg6[%dma_wait3A_146, %dma_wait3A_150] : memref<4x128xi32, #tpu.memory_space<vmem>> -> memref<1x128xi32, #tpu.memory_space<vmem>>
    %dma_wait3A_152 = tpu.memref_squeeze %dma_wait3A_151 : memref<1x128xi32, #tpu.memory_space<vmem>> -> memref<128xi32, #tpu.memory_space<vmem>>
    %dma_wait3A_153 = arith.constant 0 : i32
    %dma_wait3A_154 = arith.constant 0 : i32
    %dma_wait3A_155 = tpu.memref_slice %arg2[%dma_wait3A_153, %dma_wait3A_154] : memref<1000000x64xf32, #tpu.memory_space<hbm>> -> memref<1000000x64xf32, #tpu.memory_space<hbm>>
    tpu.wait_indirect_dma semaphore(%arg10 : memref<!tpu.dma_semaphore, #tpu.memory_space<semaphore_mem>>) src(%dma_wait3A_155 : memref<1000000x64xf32, #tpu.memory_space<hbm>>) dst(%dma_wait3A_149 : memref<128x64xf32, #tpu.memory_space<vmem>>)
    %dma_wait3A_156 = arith.constant 2 : i32
    %dma_wait3A_157 = arith.constant 256 : i32
    %dma_wait3A_158 = arith.constant 0 : i32
    %dma_wait3A_159 = tpu.memref_slice %arg8[%dma_wait3A_157, %dma_wait3A_158] : memref<512x64xf32, #tpu.memory_space<vmem>> -> memref<128x64xf32, #tpu.memory_space<vmem>>
    %dma_wait3A_160 = arith.constant 0 : i32
    %dma_wait3A_161 = tpu.memref_slice %arg6[%dma_wait3A_156, %dma_wait3A_160] : memref<4x128xi32, #tpu.memory_space<vmem>> -> memref<1x128xi32, #tpu.memory_space<vmem>>
    %dma_wait3A_162 = tpu.memref_squeeze %dma_wait3A_161 : memref<1x128xi32, #tpu.memory_space<vmem>> -> memref<128xi32, #tpu.memory_space<vmem>>
    %dma_wait3A_163 = arith.constant 0 : i32
    %dma_wait3A_164 = arith.constant 0 : i32
    %dma_wait3A_165 = tpu.memref_slice %arg2[%dma_wait3A_163, %dma_wait3A_164] : memref<1000000x64xf32, #tpu.memory_space<hbm>> -> memref<1000000x64xf32, #tpu.memory_space<hbm>>
    tpu.wait_indirect_dma semaphore(%arg10 : memref<!tpu.dma_semaphore, #tpu.memory_space<semaphore_mem>>) src(%dma_wait3A_165 : memref<1000000x64xf32, #tpu.memory_space<hbm>>) dst(%dma_wait3A_159 : memref<128x64xf32, #tpu.memory_space<vmem>>)
    %dma_wait3A_166 = arith.constant 3 : i32
    %dma_wait3A_167 = arith.constant 384 : i32
    %dma_wait3A_168 = arith.constant 0 : i32
    %dma_wait3A_169 = tpu.memref_slice %arg8[%dma_wait3A_167, %dma_wait3A_168] : memref<512x64xf32, #tpu.memory_space<vmem>> -> memref<128x64xf32, #tpu.memory_space<vmem>>
    %dma_wait3A_170 = arith.constant 0 : i32
    %dma_wait3A_171 = tpu.memref_slice %arg6[%dma_wait3A_166, %dma_wait3A_170] : memref<4x128xi32, #tpu.memory_space<vmem>> -> memref<1x128xi32, #tpu.memory_space<vmem>>
    %dma_wait3A_172 = tpu.memref_squeeze %dma_wait3A_171 : memref<1x128xi32, #tpu.memory_space<vmem>> -> memref<128xi32, #tpu.memory_space<vmem>>
    %dma_wait3A_173 = arith.constant 0 : i32
    %dma_wait3A_174 = arith.constant 0 : i32
    %dma_wait3A_175 = tpu.memref_slice %arg2[%dma_wait3A_173, %dma_wait3A_174] : memref<1000000x64xf32, #tpu.memory_space<hbm>> -> memref<1000000x64xf32, #tpu.memory_space<hbm>>
    tpu.wait_indirect_dma semaphore(%arg10 : memref<!tpu.dma_semaphore, #tpu.memory_space<semaphore_mem>>) src(%dma_wait3A_175 : memref<1000000x64xf32, #tpu.memory_space<hbm>>) dst(%dma_wait3A_169 : memref<128x64xf32, #tpu.memory_space<vmem>>)
    %mul3A_176 = arith.constant 128 : i32
    %mul3A_177 = arith.muli %add3A_135, %mul3A_176 : i32
    "tpu.region"() ({
      %run_scoped3A = tpu.sem_alloc : memref<!tpu.dma_semaphore, #tpu.memory_space<semaphore_mem>>
      %dma_start3A_178 = arith.constant 0 : i32
      %dma_start3A_179 = tpu.memref_slice %arg4[%mul3A_177, %dma_start3A_178] : memref<819200x64xf32, #tpu.memory_space<hbm>> -> memref<512x64xf32, #tpu.memory_space<hbm>>
      %dma_start3A_180 = arith.constant 0 : i32
      %dma_start3A_181 = tpu.memref_slice %arg4[%mul3A_177, %dma_start3A_180] : memref<819200x64xf32, #tpu.memory_space<hbm>> -> memref<512x64xf32, #tpu.memory_space<hbm>>
      tpu.enqueue_dma source(%arg8 : memref<512x64xf32, #tpu.memory_space<vmem>>) target(%dma_start3A_181 : memref<512x64xf32, #tpu.memory_space<hbm>>) target_semaphore(%run_scoped3A : memref<!tpu.dma_semaphore, #tpu.memory_space<semaphore_mem>>)
      %dma_wait3A_182 = arith.constant 0 : i32
      %dma_wait3A_183 = tpu.memref_slice %arg4[%mul3A_177, %dma_wait3A_182] : memref<819200x64xf32, #tpu.memory_space<hbm>> -> memref<512x64xf32, #tpu.memory_space<hbm>>
      %dma_wait3A_184 = arith.constant 0 : i32
      %dma_wait3A_185 = tpu.memref_slice %arg4[%mul3A_177, %dma_wait3A_184] : memref<819200x64xf32, #tpu.memory_space<hbm>> -> memref<512x64xf32, #tpu.memory_space<hbm>>
      tpu.wait_dma2 semaphore(%run_scoped3A : memref<!tpu.dma_semaphore, #tpu.memory_space<semaphore_mem>>) src(%arg8 : memref<512x64xf32, #tpu.memory_space<vmem>>) dst(%dma_wait3A_185 : memref<512x64xf32, #tpu.memory_space<hbm>>)
      tpu.yield
    }) : () -> ()
    return
  }
}

</mosaic_0001>

<sc_bundles>
// kernel: kernel.3.cloned.1.call-start
scs
__scs_entry_jumppad:
0x0: {  	(pc) =	sbr.rel $0x88, $3  }
0x1: {  	(tag) =	ssettag $0x0;
	lr =	simm.s32 $0x1  }
0x2: {  	[smem:$0x3F9F] =	sst lr;
	_ =	strace $0xD0000000  }
0x3: {  	_ = 	snop  }
0x4: {  	_ = 	snop  }
0x5: {  	_ = 	snop  }
0x6: {  	_ = 	snop  }
0x7: {  	_ = 	snop  }
__scs_overlays_trampoline_lowered:
0x8: {  	[smem:$0x3FAE] =	sst s0  }
0x9: {  	[smem:$0x3FAF] =	sst s1  }
0xa: {  	[smem:$0x3FB0] =	sst s2  }
0xb: {  	[smem:$0x3FB1] =	sst s3  }
0xc: {  	[smem:$0x3FB2] =	sst s4  }
0xd: {  	[smem:$0x3FB3] =	sst s5  }
0xe: {  	[smem:$0x3FB4] =	sst s6  }
0xf: {  	[smem:$0x3FB5] =	sst s7  }
0x10: {  	[smem:$0x3FB6] =	sst s8  }
0x11: {  	[smem:$0x3FB7] =	sst s9;
	s0 =	simm.s32 @!p0 $0x0  }
0x12: {  	s1 =	sld [smem:$0x3F9D];
	s0 =	simm.s32 @p0 $0x1  }
0x13: {  	[smem:$0x3FB8] =	sst s0;
	s0 =	simm.s32 @!p1 $0x0  }
0x14: {  	s2 =	sld [smem:$0x3F9C];
	s0 =	simm.s32 @p1 $0x1  }
0x15: {  	[smem:$0x3FB9] =	sst s0;
	s0 =	simm.s32 @!p2 $0x0  }
0x16: {  	s3 =	sld [smem:$0x3FDB];
	s0 =	simm.s32 @p2 $0x1  }
0x17: {  	s4 =	simm.s32 $0x1BF5;
	[smem:$0x3FBB] =	sst s0  }
0x18: {  	s0 =	sld [smem:$0x3F9E];
	_ =	swait.ge [sflag:s4], $0x0  }
0x19: {  	s7 =	sld [smem:$0x3F9F]  }
0x1a: {  	s8 =	sadd.s32 $0xFFFFE003, lr  }
0x1b: {  	s9 =	sadd.s32 $0xFFFFFEF7, lr;
	s5 =	simm.s32 $0xFFFFFFFF;
	p2 =	slt.u32 s8, $0xFFFFF086  }
0x1c: {  	p1 =	slt.u32 s9, $0xF7A;
	s5 =	simm.s32 @!p2 $0x0  }
0x1d: {  	s5 =	simm.s32 @p1 $0x1;
	p0 =	seq.s32 s7, s2  }
0x1e: {  	s7 =	smul.u32 @!p0 $0xF7A, s2;
	p2 =	seq.s32 @!p0 s5, $0x0  }
0x1f: {  	s9 =	smul.u32 $0xF7A, s1;
	s8 =	simm.s32 @!p0 $0x1BF5;
	p2 =	por !p2, p0  }
0x20: {  	[sflag:s8] =	ssyncset.s32 @!p0 $0xFFFFF086;
	s6 =	sadd.s32 @!p0 s3, s7;
	s7 =	simm.s32 @!p0 $0x108  }
0x21: {  	s3 =	sadd.s32 s3, s9;
	s6 =	sadd.s32 @!p0 $0x88, s6;
	s7 =	simm.s32 @p2 $0x1082  }
0x22: {  	[simem:s7], [sflag:s8] =	dma.local @!p0 [hbm:s6], $0xF7A  }
0x23: {  	s9 =	sor.u32 $0xD0000000, s2;
	s6 =	simm.s32 $0x108;
	_ =	swait.ge @!p0 [sflag:s8], $0x0  }
0x24: {  	s3 =	sadd.s32 $0x88, s3;
	s6 =	simm.s32 @!p1 $0x1082;
	[sflag:s4] =	ssyncset.s32 $0xFFFFF086  }
0x25: {  	[simem:s6], [sflag:s4] =	dma.local [hbm:s3], $0xF7A  }
0x26: {  	[smem:$0x3F9F] =	sst s1;
	(tag) =	ssettag s2;
	_ =	strace s9  }
0x27: {  	s1 =	sld [smem:$0x3FAF]  }
0x28: {  	s2 =	sld [smem:$0x3FB0]  }
0x29: {  	s4 =	sld [smem:$0x3FB2]  }
0x2a: {  	p0 =	seq.s32 s5, $0x0;
	s5 =	sld [smem:$0x3FB3]  }
0x2b: {  	s6 =	sld [smem:$0x3FB4]  }
0x2c: {  	s7 =	sld [smem:$0x3FB5]  }
0x2d: {  	s3 =	simm.s32 $0x108;
	s8 =	sld [smem:$0x3FB6]  }
0x2e: {  	s3 =	simm.s32 @!p0 $0x1082;
	s9 =	sld [smem:$0x3FB7]  }
0x2f: {  	lr =	sadd.s32 s0, s3;
	s0 =	sld [smem:$0x3FAE]  }
0x30: {  	s3 =	sld [smem:$0x3FB1]  }
0x31: {  	[smem:$0x3FBA] =	sst s10  }
0x32: {  	s10 =	sld [smem:$0x3FB8];
	_ =	sdelay $0x3  }
0x33: {  	p0 =	seq.s32 s10, $0x1;
	s10 =	sld [smem:$0x3FBA];
	_ =	sdelay $0x3  }
0x34: {  	[smem:$0x3FBA] =	sst s10  }
0x35: {  	s10 =	sld [smem:$0x3FB9];
	_ =	sdelay $0x3  }
0x36: {  	p1 =	seq.s32 s10, $0x1;
	s10 =	sld [smem:$0x3FBA];
	_ =	sdelay $0x3  }
0x37: {  	[smem:$0x3FBA] =	sst s10  }
0x38: {  	s10 =	sld [smem:$0x3FBB]  }
0x39: {  	_ = 	snop;
	(pc) =	sbr.ind lr, $3  }
0x3a: {  	_ = 	snop  }
0x3b: {  	_ = 	snop  }
0x3c: {  	p2 =	seq.s32 s10, $0x1;
	s10 =	sld [smem:$0x3FBA]  }
0x3d: {  	_ =	shalt  }
0x3e: {  	_ =	shalt  }
0x3f: {  	_ =	shalt  }
0x40: {  	_ =	shalt  }
0x41: {  	_ =	shalt  }
0x42: {  	_ =	shalt  }
0x43: {  	_ =	shalt  }
0x44: {  	_ =	shalt  }
0x45: {  	_ =	shalt  }
0x46: {  	_ =	shalt  }
0x47: {  	_ =	shalt  }
0x48: {  	_ =	shalt  }
0x49: {  	_ =	shalt  }
0x4a: {  	_ =	shalt  }
0x4b: {  	_ =	shalt  }
0x4c: {  	_ =	shalt  }
0x4d: {  	_ =	shalt  }
0x4e: {  	_ =	shalt  }
0x4f: {  	_ =	shalt  }
0x50: {  	_ =	shalt  }
0x51: {  	_ =	shalt  }
0x52: {  	_ =	shalt  }
0x53: {  	_ =	shalt  }
0x54: {  	_ =	shalt  }
0x55: {  	_ =	shalt  }
0x56: {  	_ =	shalt  }
0x57: {  	_ =	shalt  }
0x58: {  	_ =	shalt  }
0x59: {  	_ =	shalt  }
0x5a: {  	_ =	shalt  }
0x5b: {  	_ =	shalt  }
0x5c: {  	_ =	shalt  }
0x5d: {  	_ =	shalt  }
0x5e: {  	_ =	shalt  }
0x5f: {  	_ =	shalt  }
0x60: {  	_ =	shalt  }
0x61: {  	_ =	shalt  }
0x62: {  	_ =	shalt  }
0x63: {  	_ =	shalt  }
0x64: {  	_ =	shalt  }
0x65: {  	_ =	shalt  }
0x66: {  	_ =	shalt  }
0x67: {  	_ =	shalt  }
0x68: {  	_ =	shalt  }
0x69: {  	_ =	shalt  }
0x6a: {  	_ =	shalt  }
0x6b: {  	_ =	shalt  }
0x6c: {  	_ =	shalt  }
0x6d: {  	_ =	shalt  }
0x6e: {  	_ =	shalt  }
0x6f: {  	_ =	shalt  }
0x70: {  	_ =	shalt  }
0x71: {  	_ =	shalt  }
0x72: {  	_ =	shalt  }
0x73: {  	_ =	shalt  }
0x74: {  	_ =	shalt  }
0x75: {  	_ =	shalt  }
0x76: {  	_ =	shalt  }
0x77: {  	_ =	shalt  }
0x78: {  	_ =	shalt  }
0x79: {  	_ =	shalt  }
0x7a: {  	_ =	shalt  }
0x7b: {  	_ =	shalt  }
0x7c: {  	_ =	shalt  }
0x7d: {  	_ =	shalt  }
0x7e: {  	_ =	shalt  }
0x7f: {  	_ =	shalt  }
0x80: {  	_ =	shalt  }
0x81: {  	_ =	shalt  }
0x82: {  	_ =	shalt  }
0x83: {  	_ =	shalt  }
0x84: {  	_ =	shalt  }
0x85: {  	_ =	shalt  }
0x86: {  	_ =	shalt  }
0x87: {  	_ =	shalt  }
.Lfunc_end0:
.L_simem_size_0:
called_computation.1_lowered:
.L_overlay_start_0:
0x88: {  	s2 =	sld [smem:$0x3FD9]  }
0x89: {  	s3 =	sld [smem:$0x3FFE];
	_ =	sdelay $0x1  }
0x8a: {  	s1 =	srdreg.scid  }
0x8b: {  	s0 =	sand.u32 $0x1, s1  }
0x8c: {  	s17 =	sshll.u32 s0, $0xA;
	s2 =	sadd.s32 s3, s2  }
0x8d: {  	s2 =	sadd.s32 s2, s17  }
0x8e: {  	[smem:$0x3FC6] =	sst s2  }
0x8f: {  	_ = 	snop  }
0x90: {  	s2 =	sld [smem:$0x3FD0];
	(tm) =	ssettm $0x1  }
0x91: {  	s18 =	sld [smem:$0x3FFB];
	_ =	sdelay $0x3  }
0x92: {  	_ =	strace s18  }
0x93: {  	s3 =	sld [smem:$0x3FFC];
	_ =	sdelay $0x3  }
0x94: {  	_ =	strace s3  }
0x95: {  	s3 =	sld [smem:$0x3FFD];
	_ =	sdelay $0x3  }
0x96: {  	_ =	strace s3  }
0x97: {  	_ =	strace $0x8FFFFFFF  }
0x98: {  	s19 =	sld [smem:$0x3FDB];
	_ =	sdelay $0x1  }
0x99: {  	s4 =	simm.s32 $_scs_section_size  }
0x9a: {  	s5 =	simm.s32 $_size__tile_overlayer_lowered;
	s6 =	simm.s32 $_tile_overlayer_lowered  }
0x9b: {  	s22 =	simm.s32 $0x1BFF;
	s21 =	sshll.u32 s6, $0x1;
	s3 =	sadd.s32 s4, s19  }
0x9c: {  	s7 =	simm.s32 $0x0;
	s20 =	sshll.u32 s5, $0x1;
	s5 =	sadd.s32 s21, s3  }
0x9d: {  	[timem:s7], [sflag:s22] =	dma.local [hbm:s5], s20  }
0x9e: {  	_ =	swait.ge [sflag:s22], s20  }
0x9f: {  	s4 =	ssub.s32 $0x0, s20;
	[sflag:s22] =	ssyncset.done $0x0  }
0xa0: {  	[sflag:s22] =	ssyncadd.s32 s4;
	_ =	sdelay $0x1  }
0xa1: {  	s23 =	simm.s32 $0x1B8B  }
0xa2: {  	_ =	swait.ge [sflag:s23], $0x1  }
0xa3: {  	[sflag:s23] =	ssyncset.done $0x0  }
0xa4: {  	s25 =	simm.s32 $0x1B8E;
	s24 =	sld [smem:$0x3FFE];
	[sflag:s23] =	ssyncadd.s32 $0xFFFFFFFF  }
0xa5: {  	s26 =	simm.s32 $execute0_lowered;
	[smem:$0x3FD2] =	sst s25  }
0xa6: {  	s5 =	sshll.u32 s26, $0x1;
	_ =	strace $0x80000046;
	[dreg:$0x1] =	wrdreg $0xFFFFFFFF  }
0xa7: {  	s28 =	simm.s32 $_size_execute0_lowered;
	s3 =	sadd.s32 s3, s5;
	[dreg:$0x0] =	wrdreg $0x0  }
0xa8: {  	s5 =	sshll.u32 s28, $0x1;
	[dreg:$0x2] =	wrdreg s3  }
0xa9: {  	[dreg:$0x3] =	wrdreg s5  }
0xaa: {  	[dreg:$0x4] =	wrdreg $0xC0  }
0xab: {  	_ =	task [dreg:s7], $0x5FFFF  }
0xac: {  	[dreg:$0x1] =	wrdreg $0xFFFFFFFF  }
0xad: {  	[dreg:$0x0] =	wrdreg $0x60  }
0xae: {  	[dreg:$0x2] =	wrdreg s24  }
0xaf: {  	[dreg:$0x3] =	wrdreg s2  }
0xb0: {  	[dreg:$0x4] =	wrdreg $0x9  }
0xb1: {  	_ =	task.clear_ibuf [dreg:s7], $0x5FFFF;
	_ =	strace $0x90000046  }
0xb2: {  	s29 =	simm.s32 $0x9;
	_ =	strace $0x80000048  }
0xb3: {  	_ =	swait.ge [sflag:s29], $0x1  }
0xb4: {  	[sflag:s29] =	ssyncadd.s32 $0xFFFFFFFF  }
0xb5: {  	_ =	strace $0x90000048  }
0xb6: {  	_ =	sfence  }
0xb7: {  	s30 =	sld [smem:$0x0];
	_ =	sdelay $0x2  }
0xb8: {  	s31 =	sshll.u32 s1, $0xD;
	s1 =	sshrl.u32 s1, $0x2  }
0xb9: {  	s3 =	sand.u32 $0x4000, s31;
	s1 =	sadd.s32 s1, s30  }
0xba: {  	s0 =	sor.u32 s3, s0;
	s1 =	sshll.u32 s1, $0x11  }
0xbb: {  	s0 =	sor.u32 s1, s0  }
0xbc: {  	s0 =	sadd.s32 $0x8F2B, s0  }
0xbd: {  	[sflag:s0] =	ssyncadd.remote.s32 $0x1  }
0xbe: {  	_ =	sfence.sel $0xFFFF  }
0xbf: {  	[dreg:$0x0] =	wrdreg $0xFFFFFFFF;
	(pc) =	sbr.abs _section_cstart, $3  }
0xc0: {  	[dreg:$0x1] =	wrdreg $0xFFFFFFFF  }
0xc1: {  	_ =	task.clear_ibuf [dreg:s7], $0x2FFFF;
	_ =	strace $0x9FFFFFFF  }
0xc2: {  	(tm) =	ssettm $0x7FFFFFFF  }
0xc3: {  	_ =	shalt  }
tec
execute0_lowered:
.L_overlay_start_1:
0x0: {  	(tag) =	ssettag $0x1  }
0x1: {  	s0 =	rddreg [dreg:$0x0]  }
0x2: {  	s1 =	rddreg [dreg:$0x1]  }
0x3: {  	s3 =	srdreg.scid;
	s12 =	stileid.u32  }
0x4: {  	s2 =	simm.s32 $0x0;
	s13 =	simm.s32 $0x80;
	s14 =	simm.s32 $0x400  }
0x5: {  	s15 =	simm.s32 $0x2400;
	s16 =	simm.s32 $0x100;
	s17 =	simm.s32 $0x4400  }
0x6: {  	s28 =	simm.s32 $0xE400;
	s29 =	simm.s32 $0x1;
	s10 =	smul.u32 $0x1900, s12  }
0x7: {  	s30 =	simm.s32 $0x3;
	s31 =	simm.s32 $0x2;
	s21 =	smul.u32 $0x190, s12  }
0x8: {  	s5 =	sand.u32 $0x1, s3;
	s18 =	sshll.u32 s12, $0x1;
	s26 =	smul.u32 $0x64000, s12  }
0x9: {  	[smem:$0x7FF] =	sst s2;
	s3 =	sadd.s32 $0xF42E00, s0;
	s11 =	smul.u32 $0xC8, s5  }
0xa: {  	s0 =	sadd.s32 $0xA00, s0;
	s12 =	simm.s32 $0x5;
	s24 =	smul.u32 $0xC80, s5  }
0xb: {  	s4 =	sor.u32 s5, s18;
	s6 =	ssub.s32 $0x2, s5;
	s5 =	smul.u32 $0x32000, s5  }
0xc: {  	_ =	strace $0x80000047;
	s7 =	smul.u32 $0xC80, s4;
	s8 =	sshrl.u32 s6, $0x1  }
0xd: {  	s18 =	simm.s32 $0x180;
	s9 =	smul.u32 $0x190000, s4;
	s6 =	ssub.s32 s6, s8  }
0xe: {  	s25 =	sadd.s32 s11, s21;
	s21 =	simm.s32 $0x8400;
	s19 =	sadd.s32 s0, s7  }
0xf: {  	s20 =	sshrl.u32 s9, $0x3;
	s8 =	smax.u32 s6, $0x1;
	s0 =	sadd.s32 s10, s0  }
0x10: {  	s6 =	sshll.u32 s25, $0xA;
	s25 =	simm.s32 $0xC400;
	[dreg:$0x3] =	wrdreg s19  }
0x11: {  	s4 =	sadd.s32 $0x40, s19;
	s7 =	sadd.s32 s1, s20;
	s0 =	sadd.s32 s24, s0  }
0x12: {  	s6 =	sadd.s32 s6, s1;
	s1 =	sadd.s32 s26, s1;
	s19 =	simm.s32 $0x6400  }
0x13: {  	s20 =	simm.s32 $0x200;
	s24 =	simm.s32 $0x300;
	s26 =	simm.s32 $0x380  }
0x14: {  	[dreg:$0x4] =	wrdreg s4;
	s22 =	sadd.s32 $0x30000, s7;
	s23 =	sadd.s32 $0x31000, s7  }
0x15: {  	s9 =	sadd.s32 $0xC0, s0;
	s10 =	sadd.s32 $0x1000, s6;
	s11 =	sadd.s32 s5, s1  }
0x16: {  	s0 =	simm.s32 $0x4;
	s1 =	simm.s32 $0x0;
	[dreg:$0x5] =	wrdreg s22  }
0x17: {  	[dreg:$0x6] =	wrdreg s23;
	s22 =	simm.s32 $0x280;
	s23 =	simm.s32 $0xA400  }
.LBB2_1:
0x18: {  	s4 =	rddreg [dreg:$0x3]  }
0x19: {  	[tilespmem:s2], [sflag:$0x5] =	stream.linear.gather [hbm4b:s4+s2], $0x200, $0x38;
	[tilespmem:$0x10400] =	vst v63  }
0x1a: {  	_ =	swait.ge [sflag:s12], $0x200  }
0x1b: {  	[sflag:s12] =	ssyncset.done $0x0  }
0x1c: {  	[sflag:s12] =	ssyncadd.s32 $0xFFFFFE00  }
0x1d: {  	[tilespmem:s14], [sflag:$0x1] =	stream.indirect.gather [hbm4b:s3+s13], $0x40, s2, s13, $0xb8;
	[tilespmem:$0x10400] =	vst v63  }
0x1e: {  	_ = 	snop  }
0x1f: {  	[tilespmem:s15], [sflag:$0x1] =	stream.indirect.gather [hbm4b:s3+s13], $0x40, s13, s13, $0xb8;
	[tilespmem:$0x10400] =	vst v63  }
0x20: {  	_ = 	snop  }
0x21: {  	[tilespmem:s17], [sflag:$0x1] =	stream.indirect.gather [hbm4b:s3+s13], $0x40, s16, s13, $0xb8;
	[tilespmem:$0x10400] =	vst v63  }
0x22: {  	_ = 	snop  }
0x23: {  	[tilespmem:s19], [sflag:$0x1] =	stream.indirect.gather [hbm4b:s3+s13], $0x40, s18, s13, $0xb8;
	[tilespmem:$0x10400] =	vst v63  }
0x24: {  	s5 =	rddreg [dreg:$0x4]  }
0x25: {  	[tilespmem:s20], [sflag:$0x5] =	stream.linear.gather [hbm4b:s5+s2], $0x200, $0x38;
	[tilespmem:$0x10400] =	vst v63  }
0x26: {  	_ =	swait.ge [sflag:s12], $0x200  }
0x27: {  	[sflag:s12] =	ssyncset.done $0x0  }
0x28: {  	[sflag:s12] =	ssyncadd.s32 $0xFFFFFE00  }
0x29: {  	[tilespmem:s21], [sflag:$0x2] =	stream.indirect.gather [hbm4b:s3+s13], $0x40, s20, s13, $0xb8;
	[tilespmem:$0x10400] =	vst v63  }
0x2a: {  	_ = 	snop  }
0x2b: {  	[tilespmem:s23], [sflag:$0x2] =	stream.indirect.gather [hbm4b:s3+s13], $0x40, s22, s13, $0xb8;
	[tilespmem:$0x10400] =	vst v63  }
0x2c: {  	_ = 	snop  }
0x2d: {  	[tilespmem:s25], [sflag:$0x2] =	stream.indirect.gather [hbm4b:s3+s13], $0x40, s24, s13, $0xb8;
	[tilespmem:$0x10400] =	vst v63  }
0x2e: {  	_ = 	snop  }
0x2f: {  	[tilespmem:s28], [sflag:$0x2] =	stream.indirect.gather [hbm4b:s3+s13], $0x40, s26, s13, $0xb8;
	[tilespmem:$0x10400] =	vst v63  }
0x30: {  	_ =	swait.ge [sflag:s29], $0x2000  }
0x31: {  	[sflag:s29] =	ssyncset.done $0x0  }
0x32: {  	[sflag:s29] =	ssyncadd.s32 $0xFFFFE000  }
0x33: {  	_ =	swait.ge [sflag:s29], $0x2000  }
0x34: {  	[sflag:s29] =	ssyncset.done $0x0  }
0x35: {  	[sflag:s29] =	ssyncadd.s32 $0xFFFFE000  }
0x36: {  	_ =	swait.ge [sflag:s29], $0x2000  }
0x37: {  	[sflag:s29] =	ssyncset.done $0x0  }
0x38: {  	[sflag:s29] =	ssyncadd.s32 $0xFFFFE000  }
0x39: {  	_ =	swait.ge [sflag:s29], $0x2000  }
0x3a: {  	[sflag:s29] =	ssyncset.done $0x0  }
0x3b: {  	s5 =	sadd.s32 $0x0, s11;
	[sflag:s29] =	ssyncadd.s32 $0xFFFFE000  }
0x3c: {  	[hbm4b:s5+s2] =	stream.linear.scatter [tilespmem:s14], [sflag:$0x3], $0x8000, $0x38;
	[tilespmem:$0x10400] =	vst v63  }
0x3d: {  	s6 =	sadd.s32 $0xFFFFFFC0, s9  }
0x3e: {  	[tilespmem:s2], [sflag:$0x5] =	stream.linear.gather [hbm4b:s6+s2], $0x200, $0x38;
	[tilespmem:$0x10400] =	vst v63  }
0x3f: {  	_ =	swait.ge [sflag:s12], $0x200  }
0x40: {  	[sflag:s12] =	ssyncset.done $0x0  }
0x41: {  	[sflag:s12] =	ssyncadd.s32 $0xFFFFFE00  }
0x42: {  	_ =	swait.ge [sflag:s30], $0x8000  }
0x43: {  	[sflag:s30] =	ssyncset.done $0x0  }
0x44: {  	[sflag:s30] =	ssyncadd.s32 $0xFFFF8000  }
0x45: {  	[tilespmem:s14], [sflag:$0x1] =	stream.indirect.gather [hbm4b:s3+s13], $0x40, s2, s13, $0xb8;
	[tilespmem:$0x10400] =	vst v63  }
0x46: {  	_ = 	snop  }
0x47: {  	[tilespmem:s15], [sflag:$0x1] =	stream.indirect.gather [hbm4b:s3+s13], $0x40, s13, s13, $0xb8;
	[tilespmem:$0x10400] =	vst v63  }
0x48: {  	_ = 	snop  }
0x49: {  	[tilespmem:s17], [sflag:$0x1] =	stream.indirect.gather [hbm4b:s3+s13], $0x40, s16, s13, $0xb8;
	[tilespmem:$0x10400] =	vst v63  }
0x4a: {  	_ = 	snop  }
0x4b: {  	[tilespmem:s19], [sflag:$0x1] =	stream.indirect.gather [hbm4b:s3+s13], $0x40, s18, s13, $0xb8;
	[tilespmem:$0x10400] =	vst v63  }
0x4c: {  	_ =	swait.ge [sflag:s31], $0x2000  }
0x4d: {  	[sflag:s31] =	ssyncset.done $0x0  }
0x4e: {  	[sflag:s31] =	ssyncadd.s32 $0xFFFFE000  }
0x4f: {  	_ =	swait.ge [sflag:s31], $0x2000  }
0x50: {  	[sflag:s31] =	ssyncset.done $0x0  }
0x51: {  	[sflag:s31] =	ssyncadd.s32 $0xFFFFE000  }
0x52: {  	_ =	swait.ge [sflag:s31], $0x2000  }
0x53: {  	[sflag:s31] =	ssyncset.done $0x0  }
0x54: {  	[sflag:s31] =	ssyncadd.s32 $0xFFFFE000  }
0x55: {  	_ =	swait.ge [sflag:s31], $0x2000  }
0x56: {  	[sflag:s31] =	ssyncset.done $0x0  }
0x57: {  	s7 =	sadd.s32 $0x0, s10;
	[sflag:s31] =	ssyncadd.s32 $0xFFFFE000  }
0x58: {  	[hbm4b:s7+s2] =	stream.linear.scatter [tilespmem:s21], [sflag:$0x4], $0x8000, $0x38;
	[tilespmem:$0x10400] =	vst v63  }
0x59: {  	_ = 	snop  }
0x5a: {  	[tilespmem:s20], [sflag:$0x5] =	stream.linear.gather [hbm4b:s9+s2], $0x200, $0x38;
	[tilespmem:$0x10400] =	vst v63  }
0x5b: {  	_ =	swait.ge [sflag:s12], $0x200  }
0x5c: {  	[sflag:s12] =	ssyncset.done $0x0  }
0x5d: {  	[sflag:s12] =	ssyncadd.s32 $0xFFFFFE00  }
0x5e: {  	_ =	swait.ge [sflag:s0], $0x8000  }
0x5f: {  	[sflag:s0] =	ssyncset.done $0x0  }
0x60: {  	[sflag:s0] =	ssyncadd.s32 $0xFFFF8000  }
0x61: {  	[tilespmem:s21], [sflag:$0x2] =	stream.indirect.gather [hbm4b:s3+s13], $0x40, s20, s13, $0xb8;
	[tilespmem:$0x10400] =	vst v63  }
0x62: {  	_ = 	snop  }
0x63: {  	[tilespmem:s23], [sflag:$0x2] =	stream.indirect.gather [hbm4b:s3+s13], $0x40, s22, s13, $0xb8;
	[tilespmem:$0x10400] =	vst v63  }
0x64: {  	s5 =	simm.s32 $0x2000;
	s6 =	sadd.s32 $0x80, s9  }
0x65: {  	[tilespmem:s25], [sflag:$0x2] =	stream.indirect.gather [hbm4b:s3+s13], $0x40, s24, s13, $0xb8;
	[tilespmem:$0x10400] =	vst v63  }
.LBB2_2:
0x66: {  	[tilespmem:s28], [sflag:$0x2] =	stream.indirect.gather [hbm4b:s3+s13], $0x40, s26, s13, $0xb8;
	[tilespmem:$0x10400] =	vst v63  }
0x67: {  	s7 =	smov.u32 s5  }
0x68: {  	p0 =	sne.s32 s5, $0x2E000;
	s5 =	sadd.s32 $0x2000, s5;
	_ =	swait.ge [sflag:s29], $0x2000  }
0x69: {  	[sflag:s29] =	ssyncset.done $0x0  }
0x6a: {  	[sflag:s29] =	ssyncadd.s32 $0xFFFFE000  }
0x6b: {  	_ =	swait.ge [sflag:s29], $0x2000  }
0x6c: {  	[sflag:s29] =	ssyncset.done $0x0  }
0x6d: {  	[sflag:s29] =	ssyncadd.s32 $0xFFFFE000  }
0x6e: {  	_ =	swait.ge [sflag:s29], $0x2000  }
0x6f: {  	[sflag:s29] =	ssyncset.done $0x0  }
0x70: {  	[sflag:s29] =	ssyncadd.s32 $0xFFFFE000  }
0x71: {  	_ =	swait.ge [sflag:s29], $0x2000  }
0x72: {  	[sflag:s29] =	ssyncset.done $0x0  }
0x73: {  	s4 =	sadd.s32 s7, s11;
	[sflag:s29] =	ssyncadd.s32 $0xFFFFE000  }
0x74: {  	[hbm4b:s4+s2] =	stream.linear.scatter [tilespmem:s14], [sflag:$0x3], $0x8000, $0x38;
	[tilespmem:$0x10400] =	vst v63  }
0x75: {  	s4 =	sadd.s32 $0xFFFFFFC0, s6  }
0x76: {  	[tilespmem:s2], [sflag:$0x5] =	stream.linear.gather [hbm4b:s4+s2], $0x200, $0x38;
	[tilespmem:$0x10400] =	vst v63  }
0x77: {  	_ =	swait.ge [sflag:s12], $0x200  }
0x78: {  	[sflag:s12] =	ssyncset.done $0x0  }
0x79: {  	[sflag:s12] =	ssyncadd.s32 $0xFFFFFE00  }
0x7a: {  	_ =	swait.ge [sflag:s30], $0x8000  }
0x7b: {  	[sflag:s30] =	ssyncset.done $0x0  }
0x7c: {  	[sflag:s30] =	ssyncadd.s32 $0xFFFF8000  }
0x7d: {  	[tilespmem:s14], [sflag:$0x1] =	stream.indirect.gather [hbm4b:s3+s13], $0x40, s2, s13, $0xb8;
	[tilespmem:$0x10400] =	vst v63  }
0x7e: {  	_ = 	snop  }
0x7f: {  	[tilespmem:s15], [sflag:$0x1] =	stream.indirect.gather [hbm4b:s3+s13], $0x40, s13, s13, $0xb8;
	[tilespmem:$0x10400] =	vst v63  }
0x80: {  	_ = 	snop  }
0x81: {  	[tilespmem:s17], [sflag:$0x1] =	stream.indirect.gather [hbm4b:s3+s13], $0x40, s16, s13, $0xb8;
	[tilespmem:$0x10400] =	vst v63  }
0x82: {  	_ = 	snop  }
0x83: {  	[tilespmem:s19], [sflag:$0x1] =	stream.indirect.gather [hbm4b:s3+s13], $0x40, s18, s13, $0xb8;
	[tilespmem:$0x10400] =	vst v63  }
0x84: {  	_ =	swait.ge [sflag:s31], $0x2000  }
0x85: {  	[sflag:s31] =	ssyncset.done $0x0  }
0x86: {  	[sflag:s31] =	ssyncadd.s32 $0xFFFFE000  }
0x87: {  	_ =	swait.ge [sflag:s31], $0x2000  }
0x88: {  	[sflag:s31] =	ssyncset.done $0x0  }
0x89: {  	[sflag:s31] =	ssyncadd.s32 $0xFFFFE000  }
0x8a: {  	_ =	swait.ge [sflag:s31], $0x2000  }
0x8b: {  	[sflag:s31] =	ssyncset.done $0x0  }
0x8c: {  	[sflag:s31] =	ssyncadd.s32 $0xFFFFE000  }
0x8d: {  	_ =	swait.ge [sflag:s31], $0x2000  }
0x8e: {  	[sflag:s31] =	ssyncset.done $0x0  }
0x8f: {  	s4 =	sadd.s32 s7, s10;
	[sflag:s31] =	ssyncadd.s32 $0xFFFFE000  }
0x90: {  	[hbm4b:s4+s2] =	stream.linear.scatter [tilespmem:s21], [sflag:$0x4], $0x8000, $0x38;
	[tilespmem:$0x10400] =	vst v63  }
0x91: {  	_ = 	snop  }
0x92: {  	[tilespmem:s20], [sflag:$0x5] =	stream.linear.gather [hbm4b:s6+s2], $0x200, $0x38;
	[tilespmem:$0x10400] =	vst v63  }
0x93: {  	_ =	swait.ge [sflag:s12], $0x200  }
0x94: {  	[sflag:s12] =	ssyncset.done $0x0  }
0x95: {  	[sflag:s12] =	ssyncadd.s32 $0xFFFFFE00  }
0x96: {  	_ =	swait.ge [sflag:s0], $0x8000  }
0x97: {  	[sflag:s0] =	ssyncset.done $0x0  }
0x98: {  	[sflag:s0] =	ssyncadd.s32 $0xFFFF8000  }
0x99: {  	[tilespmem:s21], [sflag:$0x2] =	stream.indirect.gather [hbm4b:s3+s13], $0x40, s20, s13, $0xb8;
	[tilespmem:$0x10400] =	vst v63  }
.Ltmp0:
0x9a: {  	(pc) =	sbr.rel @p0 .LBB2_2-.Ltmp0, $4  }
0x9b: {  	[tilespmem:s23], [sflag:$0x2] =	stream.indirect.gather [hbm4b:s3+s13], $0x40, s22, s13, $0xb8;
	[tilespmem:$0x10400] =	vst v63  }
0x9c: {  	_ = 	snop  }
0x9d: {  	[tilespmem:s25], [sflag:$0x2] =	stream.indirect.gather [hbm4b:s3+s13], $0x40, s24, s13, $0xb8;
	[tilespmem:$0x10400] =	vst v63  }
0x9e: {  	s6 =	sadd.s32 $0x80, s6  }
0x9f: {  	[tilespmem:s28], [sflag:$0x2] =	stream.indirect.gather [hbm4b:s3+s13], $0x40, s26, s13, $0xb8;
	[tilespmem:$0x10400] =	vst v63  }
0xa0: {  	_ =	swait.ge [sflag:s29], $0x2000  }
0xa1: {  	[sflag:s29] =	ssyncset.done $0x0  }
0xa2: {  	[sflag:s29] =	ssyncadd.s32 $0xFFFFE000  }
0xa3: {  	_ =	swait.ge [sflag:s29], $0x2000  }
0xa4: {  	[sflag:s29] =	ssyncset.done $0x0  }
0xa5: {  	[sflag:s29] =	ssyncadd.s32 $0xFFFFE000  }
0xa6: {  	_ =	swait.ge [sflag:s29], $0x2000  }
0xa7: {  	[sflag:s29] =	ssyncset.done $0x0  }
0xa8: {  	[sflag:s29] =	ssyncadd.s32 $0xFFFFE000  }
0xa9: {  	_ =	swait.ge [sflag:s29], $0x2000  }
0xaa: {  	[sflag:s29] =	ssyncset.done $0x0  }
0xab: {  	s4 =	rddreg [dreg:$0x5];
	[sflag:s29] =	ssyncadd.s32 $0xFFFFE000  }
0xac: {  	[hbm4b:s4+s2] =	stream.linear.scatter [tilespmem:s14], [sflag:$0x5], $0x8000, $0x38;
	[tilespmem:$0x10400] =	vst v63  }
0xad: {  	_ =	swait.ge [sflag:s12], $0x8000  }
0xae: {  	[sflag:s12] =	ssyncset.done $0x0  }
0xaf: {  	[sflag:s12] =	ssyncadd.s32 $0xFFFF8000  }
0xb0: {  	_ =	swait.ge [sflag:s31], $0x2000  }
0xb1: {  	[sflag:s31] =	ssyncset.done $0x0  }
0xb2: {  	[sflag:s31] =	ssyncadd.s32 $0xFFFFE000  }
0xb3: {  	_ =	swait.ge [sflag:s31], $0x2000  }
0xb4: {  	[sflag:s31] =	ssyncset.done $0x0  }
0xb5: {  	[sflag:s31] =	ssyncadd.s32 $0xFFFFE000  }
0xb6: {  	_ =	swait.ge [sflag:s31], $0x2000  }
0xb7: {  	[sflag:s31] =	ssyncset.done $0x0  }
0xb8: {  	[sflag:s31] =	ssyncadd.s32 $0xFFFFE000  }
0xb9: {  	s1 =	sadd.s32 $0x1, s1;
	_ =	swait.ge [sflag:s31], $0x2000  }
0xba: {  	p0 =	sne.s32 s1, s8;
	[sflag:s31] =	ssyncset.done $0x0  }
.Ltmp1:
0xbb: {  	s7 =	rddreg [dreg:$0x6];
	[sflag:s31] =	ssyncadd.s32 $0xFFFFE000;
	(pc) =	sbr.rel @p0 .LBB2_1-.Ltmp1, $4  }
0xbc: {  	[hbm4b:s7+s2] =	stream.linear.scatter [tilespmem:s21], [sflag:$0x5], $0x8000, $0x38;
	[tilespmem:$0x10400] =	vst v63  }
0xbd: {  	_ =	swait.ge [sflag:s12], $0x8000  }
0xbe: {  	[sflag:s12] =	ssyncset.done $0x0  }
0xbf: {  	[sflag:s12] =	ssyncadd.s32 $0xFFFF8000  }
0xc0: {  	_ =	sfence.sel $0x180000  }
0xc1: {  	[bflag:$0x0] =	sbarrier.arrive $0xFFFF  }
0xc2: {  	_ =	strace $0x90000047  }
0xc3: {  	s0 =	stileid.u32;
	[bflag:$0x2] =	sbarrier.arrive $0xFFFF  }
0xc4: {  	p0 =	sne.s32 s0, $0x0;
	s0 =	rddreg [dreg:$0x2]  }
0xc5: {  	s0 =	sadd.s32 @!p0 $0x100000, s0  }
0xc6: {  	[sflag:s0] =	ssyncadd.tile.s32 @!p0 $0x1;
	_ =	shalt  }
.Lfunc_end2:
_tile_overlayer_lowered:
.L_overlay_start_2:
0xc7: {  	(tag) =	ssettag $0x2  }
0xc8: {  	s0 =	rddreg [dreg:$0x0];
	s2 =	stileid.u32  }
0xc9: {  	s1 =	rddreg [dreg:$0x1];
	p0 =	sne.s32 s2, $0x0  }
0xca: {  	s3 =	rddreg [dreg:$0x2];
	[bflag:$0x3] =	sbarrier.arrive $0xFFFF;
	s2 =	simm.s32 @!p0 $0x1C05  }
0xcb: {  	[timem:s3], [sflag:s2] =	dma.local @!p0 [hbm:s0], s1  }
0xcc: {  	s0 =	simm.s32 @!p0 $0x5  }
0xcd: {  	_ =	swait.ge @!p0 [sflag:s0], s1  }
0xce: {  	s1 =	ssub.s32 @!p0 $0x0, s1;
	[sflag:s0] =	ssyncset.done @!p0 $0x0  }
0xcf: {  	[sflag:s0] =	ssyncadd.s32 @!p0 s1  }
0xd0: {  	[bflag:$0x3] =	sbarrier.arrive $0xFFFF  }
0xd1: {  	_ =	shalt  }

// kernel: sparse-core-data-format-call.cloned.1.call-start
scs
called_computation_lowered:
.L_overlay_start_0:
0x0: {  	s2 =	sld [smem:$0x3FD9]  }
0x1: {  	s3 =	sld [smem:$0x3FFE];
	_ =	sdelay $0x1  }
0x2: {  	s1 =	srdreg.scid  }
0x3: {  	s0 =	sand.u32 $0x1, s1  }
0x4: {  	s18 =	sshll.u32 s0, $0xA;
	s2 =	sadd.s32 s3, s2  }
0x5: {  	s2 =	sadd.s32 s2, s18  }
0x6: {  	[smem:$0x3FC6] =	sst s2  }
0x7: {  	_ = 	snop  }
0x8: {  	s2 =	sld [smem:$0x3FD0];
	(tm) =	ssettm $0x1  }
0x9: {  	s19 =	sld [smem:$0x3FFB];
	_ =	sdelay $0x3  }
0xa: {  	_ =	strace s19  }
0xb: {  	s3 =	sld [smem:$0x3FFC];
	_ =	sdelay $0x3  }
0xc: {  	_ =	strace s3  }
0xd: {  	s3 =	sld [smem:$0x3FFD];
	_ =	sdelay $0x3  }
0xe: {  	_ =	strace s3  }
0xf: {  	_ =	strace $0x8FFFFFFF  }
0x10: {  	s20 =	sld [smem:$0x3FDB];
	_ =	sdelay $0x1  }
0x11: {  	s4 =	simm.s32 $_scs_section_size  }
0x12: {  	s5 =	simm.s32 $_size__tile_overlayer_lowered;
	s6 =	simm.s32 $_tile_overlayer_lowered  }
0x13: {  	s23 =	simm.s32 $0x1BFF;
	s22 =	sshll.u32 s6, $0x1;
	s3 =	sadd.s32 s4, s20  }
0x14: {  	s7 =	simm.s32 $0x0;
	s21 =	sshll.u32 s5, $0x1;
	s5 =	sadd.s32 s22, s3  }
0x15: {  	[timem:s7], [sflag:s23] =	dma.local [hbm:s5], s21  }
0x16: {  	_ =	swait.ge [sflag:s23], s21  }
0x17: {  	s4 =	ssub.s32 $0x0, s21;
	[sflag:s23] =	ssyncset.done $0x0  }
0x18: {  	[sflag:s23] =	ssyncadd.s32 s4;
	_ =	sdelay $0x1  }
0x19: {  	s24 =	simm.s32 $0x1B8B  }
0x1a: {  	_ =	swait.ge [sflag:s24], $0x1  }
0x1b: {  	[sflag:s24] =	ssyncset.done $0x0  }
0x1c: {  	s26 =	simm.s32 $0x1B8E;
	s25 =	sld [smem:$0x3FFE];
	[sflag:s24] =	ssyncadd.s32 $0xFFFFFFFF  }
0x1d: {  	s27 =	simm.s32 $execute0_lowered;
	[smem:$0x3FD2] =	sst s26  }
0x1e: {  	s5 =	sshll.u32 s27, $0x1;
	_ =	strace $0x80000049;
	[dreg:$0x1] =	wrdreg $0xFFFFFFFF  }
0x1f: {  	s28 =	simm.s32 $_size_execute0_lowered;
	s3 =	sadd.s32 s3, s5;
	[dreg:$0x0] =	wrdreg $0x0  }
0x20: {  	s5 =	sshll.u32 s28, $0x1;
	[dreg:$0x2] =	wrdreg s3  }
0x21: {  	[dreg:$0x3] =	wrdreg s5  }
0x22: {  	[dreg:$0x4] =	wrdreg $0xC0  }
0x23: {  	_ =	task [dreg:s7], $0x5FFFF  }
0x24: {  	[dreg:$0x1] =	wrdreg $0xFFFFFFFF  }
0x25: {  	[dreg:$0x0] =	wrdreg $0x60  }
0x26: {  	[dreg:$0x2] =	wrdreg s25  }
0x27: {  	[dreg:$0x3] =	wrdreg s2  }
0x28: {  	[dreg:$0x4] =	wrdreg $0x9  }
0x29: {  	_ =	task.clear_ibuf [dreg:s7], $0x5FFFF;
	_ =	strace $0x90000049  }
0x2a: {  	s29 =	simm.s32 $0x9;
	_ =	strace $0x8000004B  }
0x2b: {  	_ =	swait.ge [sflag:s29], $0x1  }
0x2c: {  	[sflag:s29] =	ssyncadd.s32 $0xFFFFFFFF  }
0x2d: {  	_ =	strace $0x9000004B  }
0x2e: {  	_ =	sfence  }
0x2f: {  	s30 =	sld [smem:$0x0];
	_ =	sdelay $0x2  }
0x30: {  	s31 =	sshll.u32 s1, $0xD;
	s1 =	sshrl.u32 s1, $0x2  }
0x31: {  	s3 =	sand.u32 $0x4000, s31;
	s1 =	sadd.s32 s1, s30  }
0x32: {  	s0 =	sor.u32 s3, s0;
	s1 =	sshll.u32 s1, $0x11  }
0x33: {  	s0 =	sor.u32 s1, s0  }
0x34: {  	s0 =	sadd.s32 $0x8F2B, s0  }
0x35: {  	[sflag:s0] =	ssyncadd.remote.s32 $0x1  }
0x36: {  	_ =	sfence.sel $0xFFFF  }
0x37: {  	[dreg:$0x0] =	wrdreg $0xFFFFFFFF;
	(pc) =	sbr.abs _section_cstart, $3  }
0x38: {  	[dreg:$0x1] =	wrdreg $0xFFFFFFFF  }
0x39: {  	_ =	task.clear_ibuf [dreg:s7], $0x2FFFF;
	_ =	strace $0x9FFFFFFF  }
0x3a: {  	(tm) =	ssettm $0x7FFFFFFF  }
0x3b: {  	_ =	shalt  }
tec
execute0_lowered:
.L_overlay_start_1:
0x0: {  	(tag) =	ssettag $0x1  }
0x1: {  	s0 =	srdreg.scid  }
0x2: {  	s1 =	sshll.u32 s0, $0x4  }
0x3: {  	s0 =	stileid.u32;
	s1 =	sand.u32 $0x10, s1  }
0x4: {  	s1 =	sor.u32 s0, s1  }
0x5: {  	s6 =	rddreg [dreg:$0x0];
	s4 =	simm.s32 $0x1;
	s2 =	sshll.u32 s1, $0x7  }
0x6: {  	s7 =	simm.s32 $0x2;
	s12 =	simm.s32 $0x0;
	s1 =	ssub.s32 $0x4000, s2  }
0x7: {  	s8 =	simm.s32 $0x20000;
	s13 =	simm.s32 $0x0;
	s3 =	sand.u32 $0xF80, s1  }
0x8: {  	s9 =	simm.s32 $0x0;
	s5 =	sshrl.u32 s1, $0xC;
	p0 =	sne.s32 s3, $0x0  }
.Ltmp0:
0x9: {  	s1 =	rddreg [dreg:$0x2];
	s4 =	simm.s32 @!p0 $0x0;
	(pc) =	sbr.rel .LBB1_1-.Ltmp0, $4  }
0xa: {  	s11 =	simm.s32 $0x0;
	s3 =	rddreg [dreg:$0x1];
	s5 =	sadd.s32 s4, s5  }
0xb: {  	_ =	strace $0x8000004A;
	s4 =	simm.s32 $0x1;
	s5 =	smul.u32 $0x32, s5  }
0xc: {  	s6 =	sadd.s32 $0xA00, s6;
	s10 =	smov.u32 s2;
	[sflag:s4] =	ssyncpa.u1 $0x0  }
0xd: {  	p0 =	por $0x0, $0x0;
	[sflag:s7] =	ssyncpa.u1 $0x0;
	s7 =	sor.u32 $0x1, s5  }
.LBB1_4:
0xe: {  	s16 =	sshll.u32 s13, $0x3;
	s17 =	sand.u32 $0x78, s13  }
0xf: {  	s30 =	sand.u32 $0x1F800, s13;
	s12 =	sshll.u32 s12, $0x11;
	s16 =	sand.u32 $0x3C00, s16  }
0x10: {  	[tilespmem:s15+$0x810 ss:$0x81] =	vst.msk $0xffff, v2;
	s31 =	sand.u32 $0x7, s13;
	s16 =	sor.u32 s17, s16;
	s17 =	sadd.s32 s3, s30  }
0x11: {  	[tilespmem:s15+$0x1020 ss:$0x81] =	vst.msk $0xffff, v0;
	s13 =	sshll.u32 s31, $0x12;
	s12 =	sadd.s32 s12, s17;
	s16 =	sshrl.u32 s16, $0x3  }
0x12: {  	[tilespmem:s15+$0x0 ss:$0x81] =	vst.msk $0xffff, v1;
	s13 =	sor.u32 $0x400, s13;
	s12 =	sadd.s32 s16, s12  }
0x13: {  	[hbm4b:s12+s13] =	stream.strided.scatter [tilespmem:s14], [sflag:$0x2], $0x2000, s8, s13, $0x20;
	[tilespmem:$0x8080] =	vst v63  }
.LBB1_5:
0x14: {  	s14 =	sadd.s32 $0x1, s9  }
0x15: {  	s12 =	sadd.s32 $0x1000, s10;
	s16 =	smov.u32 s10;
	p2 =	sgt.s32 s14, $0x31  }
0x16: {  	s16 =	smov.u32 @p2 s12  }
0x17: {  	s14 =	simm.s32 @p2 $0x0;
	p2 =	sgt.s32 s16, $0x3FFF  }
0x18: {  	s16 =	smov.u32 @p2 s2;
	p2 =	sne.s32 s11, s7  }
.Ltmp1:
0x19: {  	p1 =	slt.u32 s11, $0x2;
	(pc) =	sbr.rel @!p2 .LBB1_6-.Ltmp1, $4  }
0x1a: {  	s15 =	simm.s32 @!p1 $0x2  }
0x1b: {  	s13 =	smov.u32 s10;
	p0 =	por !p0, !p0;
	_ =	swait.ge @!p1 [sflag:s15], $0x2000  }
0x1c: {  	s12 =	smov.u32 s9;
	[sflag:s15] =	ssyncset.done @!p1 $0x0;
	s9 =	smov.u32 s14  }
0x1d: {  	s11 =	sadd.s32 $0x1, s11;
	[sflag:s15] =	ssyncadd.s32 @!p1 $0xFFFFE000;
	s10 =	smov.u32 s16  }
.LBB1_1:
0x1e: {  	p1 =	sge.u32 s11, s5  }
0x1f: {  	s14 =	sand.u32 @!p1 $0x1FFFFFF, s9  }
0x20: {  	s15 =	smulhi.u32 @!p1 $0x4924925, s14;
	_ =	sdelay $0x1  }
0x21: {  	s15 =	smul.u32 @!p1 $0x38, s15  }
0x22: {  	s16 =	sxor.u32 @!p1 $0xFFFFFFFF, s11;
	s17 =	smul.u32 @!p1 $0x380, s10  }
0x23: {  	s31 =	sadd.s32 $0xFFFFFFFF, s11;
	s16 =	sshll.u32 @!p1 s16, $0xD;
	s14 =	ssub.s32 @!p1 s14, s15  }
0x24: {  	s15 =	sand.u32 @!p1 $0x2000, s16;
	s16 =	sadd.s32 @!p1 s6, s17;
	s14 =	sshll.u32 @!p1 s14, $0x4  }
0x25: {  	s17 =	simm.s32 @!p1 $0x1C00;
	s14 =	sadd.s32 @!p1 s14, s16;
	s16 =	simm.s32 @!p1 $0x40  }
0x26: {  	[tilespmem:s15], [sflag:$0x1] =	stream.strided.gather @!p1 [hbm4b:s14+s16], $0x2000, s17, s16, $0x38;
	[tilespmem:$0x8080] =	vst v63  }
0x27: {  	p1 =	sge.u32 s31, s5  }
.Ltmp2:
0x28: {  	_ = 	snop;
	(pc) =	sbr.rel @p1 .LBB1_5-.Ltmp2, $1  }
0x29: {  	_ =	sdelay $0x3  }
0x2a: {  	s14 =	simm.s32 $0x1  }
0x2b: {  	_ =	swait.ge [sflag:s4], $0x2000;
	s14 =	simm.s32 @!p0 $0x0  }
0x2c: {  	[sflag:s4] =	ssyncset.done $0x0;
	s15 =	sshll.u32 s14, $0xD  }
0x2d: {  	[sflag:s4] =	ssyncadd.s32 $0xFFFFE000;
	s18 =	sor.u32 $0x20, s15  }
0x2e: {  	s14 =	smul.u32 $0x8100, s14;
	v3 =	vld [tilespmem:s18+$0x10]  }
0x2f: {  	s30 =	sand.u32 $0x1, s11;
	v2 =	vld [tilespmem:s18+$0xFFFFFFF0]  }
0x30: {  	s15 =	smul.u32 $0x8100, s30;
	s14 =	sshrl.u32 s14, $0x2;
	v0 =	vld [tilespmem:s18+$0x0]  }
0x31: {  	v1 =	vld [tilespmem:s18+$0xFFFFFFE0];
	s16 =	sor.u32 $0x4000, s14  }
0x32: {  	s31 =	sshrl.u32 s15, $0x2;
	s15 =	sadd.s32 $0x0, s16  }
0x33: {  	s17 =	simm.s32 $0x4;
	s18 =	sadd.s32 $0x40, s18;
	s14 =	sor.u32 $0x4000, s31;
	[tilespmem:s15+$0x1830 ss:$0x81] =	vst.msk $0xffff, v3  }
.LBB1_3:
0x34: {  	v3 =	vld [tilespmem:s18+$0x10];
	p1 =	sne.s32 s17, $0x1FC;
	[tilespmem:s15+$0x810 ss:$0x81] =	vst.msk $0xffff, v2;
	s19 =	smov.u32 s17;
	s17 =	sadd.s32 $0x4, s17  }
.Ltmp3:
0x35: {  	v2 =	vld [tilespmem:s18+$0xFFFFFFF0];
	[tilespmem:s15+$0x1020 ss:$0x81] =	vst.msk $0xffff, v0;
	(pc) =	sbr.rel @p1 .LBB1_3-.Ltmp3, $4  }
0x36: {  	v0 =	vld [tilespmem:s18+$0x0];
	[tilespmem:s15+$0x0 ss:$0x81] =	vst.msk $0xffff, v1  }
0x37: {  	s15 =	sshra.s32 s19, $0x2;
	v1 =	vld [tilespmem:s18+$0xFFFFFFE0]  }
0x38: {  	s15 =	sadd.s32 s15, s16  }
0x39: {  	s18 =	sadd.s32 $0x40, s18;
	[tilespmem:s15+$0x1830 ss:$0x81] =	vst.msk $0xffff, v3  }
.Ltmp4:
0x3a: {  	_ = 	snop;
	(pc) =	sbr.rel .LBB1_4-.Ltmp4, $1  }
0x3b: {  	_ =	sdelay $0x3  }
.LBB1_6:
0x3c: {  	_ =	sfence.sel $0x180000  }
0x3d: {  	s2 =	simm.s32 $0x1;
	[bflag:$0x0] =	sbarrier.arrive $0xFFFF  }
0x3e: {  	s31 =	simm.s32 $0x2;
	[sflag:s2] =	ssyncpa.u1 $0x1  }
0x3f: {  	[sflag:s31] =	ssyncpa.u1 $0x1  }
0x40: {  	p0 =	sne.s32 s0, $0x0;
	_ =	strace $0x9000004A  }
0x41: {  	s0 =	sadd.s32 @!p0 $0x100000, s1;
	[bflag:$0x2] =	sbarrier.arrive $0xFFFF  }
0x42: {  	[sflag:s0] =	ssyncadd.tile.s32 @!p0 $0x1;
	_ =	shalt  }
.Lfunc_end1:
_tile_overlayer_lowered:
.L_overlay_start_2:
0x43: {  	(tag) =	ssettag $0x2  }
0x44: {  	s0 =	rddreg [dreg:$0x0];
	s2 =	stileid.u32  }
0x45: {  	s1 =	rddreg [dreg:$0x1];
	p0 =	sne.s32 s2, $0x0  }
0x46: {  	s3 =	rddreg [dreg:$0x2];
	[bflag:$0x3] =	sbarrier.arrive $0xFFFF;
	s2 =	simm.s32 @!p0 $0x1C01  }
0x47: {  	[timem:s3], [sflag:s2] =	dma.local @!p0 [hbm:s0], s1  }
0x48: {  	s0 =	simm.s32 @!p0 $0x1  }
0x49: {  	_ =	swait.ge @!p0 [sflag:s0], s1  }
0x4a: {  	s1 =	ssub.s32 @!p0 $0x0, s1;
	[sflag:s0] =	ssyncset.done @!p0 $0x0  }
0x4b: {  	[sflag:s0] =	ssyncadd.s32 @!p0 s1  }
0x4c: {  	[bflag:$0x3] =	sbarrier.arrive $0xFFFF  }
0x4d: {  	_ =	shalt  }

</sc_bundles>
